<compile_context>
chip_gen: v7x
topology: tpu7x:2x2x1
jax: 0.10.2.dev20260603
libtpu: 0.0.44.dev20260713+nightly
codegen_flags: <defaults>
</compile_context>

<pallas_src>
import functools

import jax
import jax.numpy as jnp
from jax import lax
from jax.experimental import pallas as pl
from jax.experimental.pallas import tpu as pltpu
from jax.experimental.pallas import tpu_sc as plsc

_BATCH, _HIST, _D = 16384, 50, 64
_NC, _NS = 2, 16
_NW = _NC * _NS
_BW = _BATCH // _NW
_G = 128
_NT = _BW // _G
_NG = _HIST * _NT
_TA, _TJ = _D // 8, 8
_NBUF = 2


def _body(xt_hbm, tab_hbm, out_hbm, idx_v, rows0, rows1, tb0, tb1,
          gsems, ssems):
    rows_b = (rows0, rows1)
    tb_b = (tb0, tb1)

    wid = lax.axis_index("s") * _NC + lax.axis_index("c")
    bbase = wid * _BW
    cbase = wid * _NT

    pltpu.sync_copy(xt_hbm.at[:, pl.ds(bbase, _BW)], idx_v)

    iota = lax.iota(jnp.int32, 16)
    a_k = [(iota + 16 * k) // 8 for k in range(_D // 16)]
    jr_k = [(iota + 16 * k) % 8 for k in range(_D // 16)]

    def fire_gather(b, g):
        h = g // _NT
        ct = g % _NT
        pltpu.async_copy(
            tab_hbm.at[idx_v.at[h, pl.ds(ct * _G, _G)]],
            rows_b[b],
            gsems.at[b],
        )

    def drain_gather(b):
        pltpu.make_async_copy(
            tab_hbm.at[pl.ds(0, _G)], rows_b[b], gsems.at[b]
        ).wait()

    def scatter(b):
        @pl.loop(0, _G, unroll=8)
        def _row(r):
            br = jnp.full((16,), r, jnp.int32)
            vs = [rows_b[b][r, pl.ds(16 * k, 16)] for k in range(_D // 16)]
            for k in range(_D // 16):
                plsc.store_scatter(tb_b[b], [a_k[k], jr_k[k], br], vs[k])

    def store(b, g):
        h = g // _NT
        ct = g % _NT
        pltpu.async_copy(
            tb_b[b].at[:, :, pl.ds(0, _G)],
            out_hbm.at[h, :, cbase + ct],
            ssems.at[b],
        )

    def wait_store(b):
        pltpu.make_async_copy(
            tb_b[b].at[:, :, pl.ds(0, _G)], out_hbm.at[0, :, 0], ssems.at[b]
        ).wait()

    fire_gather(0, 0)

    @pl.loop(0, _NG, step=_NBUF)
    def _outer(g0):
        for b in range(_NBUF):
            g = g0 + b
            nb = (b + 1) % _NBUF
            ng = g + 1

            @pl.when(ng < _NG)
            def _():
                fire_gather(nb, ng)

            drain_gather(b)

            @pl.when(g >= _NBUF)
            def _():
                wait_store(b)

            scatter(b)
            store(b, g)

    for b in range(_NBUF):
        wait_store(b)


@jax.jit
def _lookup(xt, img_weight):
    mesh = plsc.VectorSubcoreMesh(core_axis_name="c", subcore_axis_name="s")
    run = functools.partial(
        pl.kernel,
        out_type=jax.ShapeDtypeStruct(
            (_HIST, _TA, _BATCH // _G, _TJ, _G), jnp.float32),
        mesh=mesh,
        scratch_types=[
            pltpu.VMEM((_HIST, _BW), jnp.int32),
            pltpu.VMEM((_G, _D), jnp.float32),
            pltpu.VMEM((_G, _D), jnp.float32),
            pltpu.VMEM((_TA, _TJ, _G + 1), jnp.float32),
            pltpu.VMEM((_TA, _TJ, _G + 1), jnp.float32),
            pltpu.SemaphoreType.DMA((_NBUF,)),
            pltpu.SemaphoreType.DMA((_NBUF,)),
        ],
        compiler_params=pltpu.CompilerParams(
            use_tc_tiling_on_sc=False, needs_layout_passes=False),
    )(_body)
    return run(xt, img_weight)


def kernel(x, img_weight):
    five_d = _lookup(x.T, img_weight)
    out_t = lax.transpose(five_d, (2, 4, 0, 1, 3))
    return out_t.reshape(_BATCH, _HIST, _D)

# --- scband reference (transcript-rebuilt; emitter-appended) ---
"""Pipeline reference for scband-image-embeding-81922206203923 (READ-ONLY COPY).

The authoritative reference and input builder live on the scoring server;
editing this copy changes nothing except your own understanding.
"""

import jax, jax.numpy as jnp
import numpy as np

VOCAB = 1000000
EMBED_DIM = 64
BATCH = 16384
HIST_LEN = 50

def setup_inputs(seed: int = 0) -> dict:
    key = jax.random.key(seed)
    k1, k2 = jax.random.split(key)
    x = jax.random.randint(k1, (BATCH, HIST_LEN), 0, VOCAB, dtype=jnp.int32)
    img_weight = jax.random.normal(k2, (VOCAB, EMBED_DIM), dtype=jnp.float32)
    return {"x": x, "img_weight": img_weight}

def reference(x, img_weight):
    # tf.nn.embedding_lookup(img_weight, x) == gather along axis 0
    return jnp.take(img_weight, x, axis=0)

if __name__ == "__main__":
    import jax
    _d = setup_inputs()
    print(jax.jit(kernel)(*tuple(_d.values())))

</pallas_src>

<mosaic_0001>
#map = affine_map<(d0, d1) -> (0, 0)>
#map1 = affine_map<(d0, d1) -> (0, 0, 0, 0, 0)>
module attributes {stable_mosaic.version = 14 : i64} {
  func.func @_body(%arg0: i32, %arg1: i32, %arg2: memref<50x16384xi32, #tpu.memory_space<hbm>>, %arg3: memref<1000000x64xf32, #tpu.memory_space<hbm>>, %arg4: memref<50x8x128x8x128xf32, #tpu.memory_space<hbm>>, %arg5: memref<50x512xi32, #tpu.memory_space<vmem>>, %arg6: memref<128x64xf32, #tpu.memory_space<vmem>>, %arg7: memref<128x64xf32, #tpu.memory_space<vmem>>, %arg8: memref<8x8x129xf32, #tpu.memory_space<vmem>>, %arg9: memref<8x8x129xf32, #tpu.memory_space<vmem>>, %arg10: memref<2x!tpu.dma_semaphore, #tpu.memory_space<semaphore_mem>>, %arg11: memref<2x!tpu.dma_semaphore, #tpu.memory_space<semaphore_mem>>) attributes {dimension_semantics = [#tpu.dimension_semantics<core_parallel>, #tpu.dimension_semantics<subcore_parallel>], iteration_bounds = array<i64: 2, 16>, scalar_prefetch = 0 : i64, scratch_operands = 7 : i64, tpu.core_type = #tpu.core_type<sc_vector_subcore>, window_params = [{transform_indices = #map}, {transform_indices = #map}, {transform_indices = #map1}]} {
    %mul3A = arith.constant 2 : i32
    %mul3A_0 = arith.muli %arg1, %mul3A : i32
    %add3A = arith.addi %mul3A_0, %arg0 : i32
    %mul3A_1 = arith.constant 512 : i32
    %mul3A_2 = arith.muli %add3A, %mul3A_1 : i32
    %mul3A_3 = arith.constant 4 : i32
    %mul3A_4 = arith.muli %add3A, %mul3A_3 : i32
    "tpu.region"() ({
      %run_scoped3A = tpu.sem_alloc : memref<!tpu.dma_semaphore, #tpu.memory_space<semaphore_mem>>
      %dma_start3A_289 = arith.constant 0 : i32
      %dma_start3A_290 = tpu.memref_slice %arg2[%dma_start3A_289, %mul3A_2] : memref<50x16384xi32, #tpu.memory_space<hbm>> -> memref<50x512xi32, #tpu.memory_space<hbm>>
      %dma_start3A_291 = arith.constant 0 : i32
      %dma_start3A_292 = tpu.memref_slice %arg2[%dma_start3A_291, %mul3A_2] : memref<50x16384xi32, #tpu.memory_space<hbm>> -> memref<50x512xi32, #tpu.memory_space<hbm>>
      tpu.enqueue_dma source(%dma_start3A_292 : memref<50x512xi32, #tpu.memory_space<hbm>>) target(%arg5 : memref<50x512xi32, #tpu.memory_space<vmem>>) target_semaphore(%run_scoped3A : memref<!tpu.dma_semaphore, #tpu.memory_space<semaphore_mem>>)
      %dma_wait3A_293 = arith.constant 0 : i32
      %dma_wait3A_294 = tpu.memref_slice %arg2[%dma_wait3A_293, %mul3A_2] : memref<50x16384xi32, #tpu.memory_space<hbm>> -> memref<50x512xi32, #tpu.memory_space<hbm>>
      %dma_wait3A_295 = arith.constant 0 : i32
      %dma_wait3A_296 = tpu.memref_slice %arg2[%dma_wait3A_295, %mul3A_2] : memref<50x16384xi32, #tpu.memory_space<hbm>> -> memref<50x512xi32, #tpu.memory_space<hbm>>
      tpu.wait_dma2 semaphore(%run_scoped3A : memref<!tpu.dma_semaphore, #tpu.memory_space<semaphore_mem>>) src(%dma_wait3A_296 : memref<50x512xi32, #tpu.memory_space<hbm>>) dst(%arg5 : memref<50x512xi32, #tpu.memory_space<vmem>>)
      tpu.yield
    }) : () -> ()
    %iota3A = tpu.iota {dimensions = array<i32: 0>} : vector<16xi32>
    %add3A_5 = arith.constant 0 : i32
    %add3A_6 = vector.broadcast %add3A_5 : i32 to vector<16xi32>
    %add3A_7 = arith.addi %iota3A, %add3A_6 : vector<16xi32>
    %jit3A = arith.constant 8 : i32
    %div3A = vector.broadcast %jit3A : i32 to vector<16xi32>
    %div3A_8 = arith.divsi %add3A_7, %div3A : vector<16xi32>
    %sign3A = arith.constant 0 : i32
    %sign3A_9 = vector.broadcast %sign3A : i32 to vector<16xi32>
    %sign3A_10 = arith.cmpi sgt, %add3A_7, %sign3A_9 : vector<16xi32>
    %sign3A_11 = arith.extui %sign3A_10 : vector<16xi1> to vector<16xi32>
    %sign3A_12 = arith.constant 0 : i32
    %sign3A_13 = vector.broadcast %sign3A_12 : i32 to vector<16xi32>
    %sign3A_14 = arith.cmpi slt, %add3A_7, %sign3A_13 : vector<16xi32>
    %sign3A_15 = arith.extui %sign3A_14 : vector<16xi1> to vector<16xi32>
    %sign3A_16 = arith.subi %sign3A_11, %sign3A_15 : vector<16xi32>
    %sign3A_17 = arith.constant 0 : i32
    %sign3A_18 = arith.cmpi sgt, %jit3A, %sign3A_17 : i32
    %sign3A_19 = arith.extui %sign3A_18 : i1 to i32
    %sign3A_20 = arith.constant 0 : i32
    %sign3A_21 = arith.cmpi slt, %jit3A, %sign3A_20 : i32
    %sign3A_22 = arith.extui %sign3A_21 : i1 to i32
    %sign3A_23 = arith.subi %sign3A_19, %sign3A_22 : i32
    %ne3A = vector.broadcast %sign3A_23 : i32 to vector<16xi32>
    %ne3A_24 = arith.cmpi ne, %sign3A_16, %ne3A : vector<16xi32>
    %rem3A = vector.broadcast %jit3A : i32 to vector<16xi32>
    %rem3A_25 = arith.remsi %add3A_7, %rem3A : vector<16xi32>
    %ne3A_26 = arith.constant 0 : i32
    %ne3A_27 = vector.broadcast %ne3A_26 : i32 to vector<16xi32>
    %ne3A_28 = arith.cmpi ne, %rem3A_25, %ne3A_27 : vector<16xi32>
    %and3A = arith.andi %ne3A_24, %ne3A_28 : vector<16xi1>
    %sub3A = arith.constant 1 : i32
    %sub3A_29 = vector.broadcast %sub3A : i32 to vector<16xi32>
    %sub3A_30 = arith.subi %div3A_8, %sub3A_29 : vector<16xi32>
    %select_n3A = arith.select %and3A, %sub3A_30, %div3A_8 : vector<16xi1>, vector<16xi32>
    %add3A_31 = arith.constant 16 : i32
    %add3A_32 = vector.broadcast %add3A_31 : i32 to vector<16xi32>
    %add3A_33 = arith.addi %iota3A, %add3A_32 : vector<16xi32>
    %jit3A_34 = arith.constant 8 : i32
    %div3A_35 = vector.broadcast %jit3A_34 : i32 to vector<16xi32>
    %div3A_36 = arith.divsi %add3A_33, %div3A_35 : vector<16xi32>
    %sign3A_37 = arith.constant 0 : i32
    %sign3A_38 = vector.broadcast %sign3A_37 : i32 to vector<16xi32>
    %sign3A_39 = arith.cmpi sgt, %add3A_33, %sign3A_38 : vector<16xi32>
    %sign3A_40 = arith.extui %sign3A_39 : vector<16xi1> to vector<16xi32>
    %sign3A_41 = arith.constant 0 : i32
    %sign3A_42 = vector.broadcast %sign3A_41 : i32 to vector<16xi32>
    %sign3A_43 = arith.cmpi slt, %add3A_33, %sign3A_42 : vector<16xi32>
    %sign3A_44 = arith.extui %sign3A_43 : vector<16xi1> to vector<16xi32>
    %sign3A_45 = arith.subi %sign3A_40, %sign3A_44 : vector<16xi32>
    %sign3A_46 = arith.constant 0 : i32
    %sign3A_47 = arith.cmpi sgt, %jit3A_34, %sign3A_46 : i32
    %sign3A_48 = arith.extui %sign3A_47 : i1 to i32
    %sign3A_49 = arith.constant 0 : i32
    %sign3A_50 = arith.cmpi slt, %jit3A_34, %sign3A_49 : i32
    %sign3A_51 = arith.extui %sign3A_50 : i1 to i32
    %sign3A_52 = arith.subi %sign3A_48, %sign3A_51 : i32
    %ne3A_53 = vector.broadcast %sign3A_52 : i32 to vector<16xi32>
    %ne3A_54 = arith.cmpi ne, %sign3A_45, %ne3A_53 : vector<16xi32>
    %rem3A_55 = vector.broadcast %jit3A_34 : i32 to vector<16xi32>
    %rem3A_56 = arith.remsi %add3A_33, %rem3A_55 : vector<16xi32>
    %ne3A_57 = arith.constant 0 : i32
    %ne3A_58 = vector.broadcast %ne3A_57 : i32 to vector<16xi32>
    %ne3A_59 = arith.cmpi ne, %rem3A_56, %ne3A_58 : vector<16xi32>
    %and3A_60 = arith.andi %ne3A_54, %ne3A_59 : vector<16xi1>
    %sub3A_61 = arith.constant 1 : i32
    %sub3A_62 = vector.broadcast %sub3A_61 : i32 to vector<16xi32>
    %sub3A_63 = arith.subi %div3A_36, %sub3A_62 : vector<16xi32>
    %select_n3A_64 = arith.select %and3A_60, %sub3A_63, %div3A_36 : vector<16xi1>, vector<16xi32>
    %add3A_65 = arith.constant 32 : i32
    %add3A_66 = vector.broadcast %add3A_65 : i32 to vector<16xi32>
    %add3A_67 = arith.addi %iota3A, %add3A_66 : vector<16xi32>
    %jit3A_68 = arith.constant 8 : i32
    %div3A_69 = vector.broadcast %jit3A_68 : i32 to vector<16xi32>
    %div3A_70 = arith.divsi %add3A_67, %div3A_69 : vector<16xi32>
    %sign3A_71 = arith.constant 0 : i32
    %sign3A_72 = vector.broadcast %sign3A_71 : i32 to vector<16xi32>
    %sign3A_73 = arith.cmpi sgt, %add3A_67, %sign3A_72 : vector<16xi32>
    %sign3A_74 = arith.extui %sign3A_73 : vector<16xi1> to vector<16xi32>
    %sign3A_75 = arith.constant 0 : i32
    %sign3A_76 = vector.broadcast %sign3A_75 : i32 to vector<16xi32>
    %sign3A_77 = arith.cmpi slt, %add3A_67, %sign3A_76 : vector<16xi32>
    %sign3A_78 = arith.extui %sign3A_77 : vector<16xi1> to vector<16xi32>
    %sign3A_79 = arith.subi %sign3A_74, %sign3A_78 : vector<16xi32>
    %sign3A_80 = arith.constant 0 : i32
    %sign3A_81 = arith.cmpi sgt, %jit3A_68, %sign3A_80 : i32
    %sign3A_82 = arith.extui %sign3A_81 : i1 to i32
    %sign3A_83 = arith.constant 0 : i32
    %sign3A_84 = arith.cmpi slt, %jit3A_68, %sign3A_83 : i32
    %sign3A_85 = arith.extui %sign3A_84 : i1 to i32
    %sign3A_86 = arith.subi %sign3A_82, %sign3A_85 : i32
    %ne3A_87 = vector.broadcast %sign3A_86 : i32 to vector<16xi32>
    %ne3A_88 = arith.cmpi ne, %sign3A_79, %ne3A_87 : vector<16xi32>
    %rem3A_89 = vector.broadcast %jit3A_68 : i32 to vector<16xi32>
    %rem3A_90 = arith.remsi %add3A_67, %rem3A_89 : vector<16xi32>
    %ne3A_91 = arith.constant 0 : i32
    %ne3A_92 = vector.broadcast %ne3A_91 : i32 to vector<16xi32>
    %ne3A_93 = arith.cmpi ne, %rem3A_90, %ne3A_92 : vector<16xi32>
    %and3A_94 = arith.andi %ne3A_88, %ne3A_93 : vector<16xi1>
    %sub3A_95 = arith.constant 1 : i32
    %sub3A_96 = vector.broadcast %sub3A_95 : i32 to vector<16xi32>
    %sub3A_97 = arith.subi %div3A_70, %sub3A_96 : vector<16xi32>
    %select_n3A_98 = arith.select %and3A_94, %sub3A_97, %div3A_70 : vector<16xi1>, vector<16xi32>
    %add3A_99 = arith.constant 48 : i32
    %add3A_100 = vector.broadcast %add3A_99 : i32 to vector<16xi32>
    %add3A_101 = arith.addi %iota3A, %add3A_100 : vector<16xi32>
    %jit3A_102 = arith.constant 8 : i32
    %div3A_103 = vector.broadcast %jit3A_102 : i32 to vector<16xi32>
    %div3A_104 = arith.divsi %add3A_101, %div3A_103 : vector<16xi32>
    %sign3A_105 = arith.constant 0 : i32
    %sign3A_106 = vector.broadcast %sign3A_105 : i32 to vector<16xi32>
    %sign3A_107 = arith.cmpi sgt, %add3A_101, %sign3A_106 : vector<16xi32>
    %sign3A_108 = arith.extui %sign3A_107 : vector<16xi1> to vector<16xi32>
    %sign3A_109 = arith.constant 0 : i32
    %sign3A_110 = vector.broadcast %sign3A_109 : i32 to vector<16xi32>
    %sign3A_111 = arith.cmpi slt, %add3A_101, %sign3A_110 : vector<16xi32>
    %sign3A_112 = arith.extui %sign3A_111 : vector<16xi1> to vector<16xi32>
    %sign3A_113 = arith.subi %sign3A_108, %sign3A_112 : vector<16xi32>
    %sign3A_114 = arith.constant 0 : i32
    %sign3A_115 = arith.cmpi sgt, %jit3A_102, %sign3A_114 : i32
    %sign3A_116 = arith.extui %sign3A_115 : i1 to i32
    %sign3A_117 = arith.constant 0 : i32
    %sign3A_118 = arith.cmpi slt, %jit3A_102, %sign3A_117 : i32
    %sign3A_119 = arith.extui %sign3A_118 : i1 to i32
    %sign3A_120 = arith.subi %sign3A_116, %sign3A_119 : i32
    %ne3A_121 = vector.broadcast %sign3A_120 : i32 to vector<16xi32>
    %ne3A_122 = arith.cmpi ne, %sign3A_113, %ne3A_121 : vector<16xi32>
    %rem3A_123 = vector.broadcast %jit3A_102 : i32 to vector<16xi32>
    %rem3A_124 = arith.remsi %add3A_101, %rem3A_123 : vector<16xi32>
    %ne3A_125 = arith.constant 0 : i32
    %ne3A_126 = vector.broadcast %ne3A_125 : i32 to vector<16xi32>
    %ne3A_127 = arith.cmpi ne, %rem3A_124, %ne3A_126 : vector<16xi32>
    %and3A_128 = arith.andi %ne3A_122, %ne3A_127 : vector<16xi1>
    %sub3A_129 = arith.constant 1 : i32
    %sub3A_130 = vector.broadcast %sub3A_129 : i32 to vector<16xi32>
    %sub3A_131 = arith.subi %div3A_104, %sub3A_130 : vector<16xi32>
    %select_n3A_132 = arith.select %and3A_128, %sub3A_131, %div3A_104 : vector<16xi1>, vector<16xi32>
    %add3A_133 = arith.constant 0 : i32
    %add3A_134 = vector.broadcast %add3A_133 : i32 to vector<16xi32>
    %add3A_135 = arith.addi %iota3A, %add3A_134 : vector<16xi32>
    %jit3A_136 = arith.constant 8 : i32
    %eq3A = arith.constant 0 : i32
    %eq3A_137 = arith.cmpi eq, %jit3A_136, %eq3A : i32
    %jit3A_138 = arith.constant 1 : i32
    %select_n3A_139 = arith.select %eq3A_137, %jit3A_138, %jit3A_136 : i32
    %rem3A_140 = vector.broadcast %select_n3A_139 : i32 to vector<16xi32>
    %rem3A_141 = arith.remsi %add3A_135, %rem3A_140 : vector<16xi32>
    %ne3A_142 = arith.constant 0 : i32
    %ne3A_143 = vector.broadcast %ne3A_142 : i32 to vector<16xi32>
    %ne3A_144 = arith.cmpi ne, %rem3A_141, %ne3A_143 : vector<16xi32>
    %lt3A = arith.constant 0 : i32
    %lt3A_145 = vector.broadcast %lt3A : i32 to vector<16xi32>
    %lt3A_146 = arith.cmpi slt, %rem3A_141, %lt3A_145 : vector<16xi32>
    %lt3A_147 = arith.constant 0 : i32
    %lt3A_148 = arith.cmpi slt, %select_n3A_139, %lt3A_147 : i32
    %ne3A_149 = vector.broadcast %lt3A_148 : i1 to vector<16xi1>
    %ne3A_150 = vector.broadcast %ne3A_149 : vector<16xi1> to vector<16xi1>
    %ne3A_151 = arith.xori %lt3A_146, %ne3A_150 : vector<16xi1>
    %and3A_152 = arith.andi %ne3A_151, %ne3A_144 : vector<16xi1>
    %add3A_153 = vector.broadcast %select_n3A_139 : i32 to vector<16xi32>
    %add3A_154 = arith.addi %rem3A_141, %add3A_153 : vector<16xi32>
    %select_n3A_155 = arith.select %and3A_152, %add3A_154, %rem3A_141 : vector<16xi1>, vector<16xi32>
    %add3A_156 = arith.constant 16 : i32
    %add3A_157 = vector.broadcast %add3A_156 : i32 to vector<16xi32>
    %add3A_158 = arith.addi %iota3A, %add3A_157 : vector<16xi32>
    %jit3A_159 = arith.constant 8 : i32
    %eq3A_160 = arith.constant 0 : i32
    %eq3A_161 = arith.cmpi eq, %jit3A_159, %eq3A_160 : i32
    %jit3A_162 = arith.constant 1 : i32
    %select_n3A_163 = arith.select %eq3A_161, %jit3A_162, %jit3A_159 : i32
    %rem3A_164 = vector.broadcast %select_n3A_163 : i32 to vector<16xi32>
    %rem3A_165 = arith.remsi %add3A_158, %rem3A_164 : vector<16xi32>
    %ne3A_166 = arith.constant 0 : i32
    %ne3A_167 = vector.broadcast %ne3A_166 : i32 to vector<16xi32>
    %ne3A_168 = arith.cmpi ne, %rem3A_165, %ne3A_167 : vector<16xi32>
    %lt3A_169 = arith.constant 0 : i32
    %lt3A_170 = vector.broadcast %lt3A_169 : i32 to vector<16xi32>
    %lt3A_171 = arith.cmpi slt, %rem3A_165, %lt3A_170 : vector<16xi32>
    %lt3A_172 = arith.constant 0 : i32
    %lt3A_173 = arith.cmpi slt, %select_n3A_163, %lt3A_172 : i32
    %ne3A_174 = vector.broadcast %lt3A_173 : i1 to vector<16xi1>
    %ne3A_175 = vector.broadcast %ne3A_174 : vector<16xi1> to vector<16xi1>
    %ne3A_176 = arith.xori %lt3A_171, %ne3A_175 : vector<16xi1>
    %and3A_177 = arith.andi %ne3A_176, %ne3A_168 : vector<16xi1>
    %add3A_178 = vector.broadcast %select_n3A_163 : i32 to vector<16xi32>
    %add3A_179 = arith.addi %rem3A_165, %add3A_178 : vector<16xi32>
    %select_n3A_180 = arith.select %and3A_177, %add3A_179, %rem3A_165 : vector<16xi1>, vector<16xi32>
    %add3A_181 = arith.constant 32 : i32
    %add3A_182 = vector.broadcast %add3A_181 : i32 to vector<16xi32>
    %add3A_183 = arith.addi %iota3A, %add3A_182 : vector<16xi32>
    %jit3A_184 = arith.constant 8 : i32
    %eq3A_185 = arith.constant 0 : i32
    %eq3A_186 = arith.cmpi eq, %jit3A_184, %eq3A_185 : i32
    %jit3A_187 = arith.constant 1 : i32
    %select_n3A_188 = arith.select %eq3A_186, %jit3A_187, %jit3A_184 : i32
    %rem3A_189 = vector.broadcast %select_n3A_188 : i32 to vector<16xi32>
    %rem3A_190 = arith.remsi %add3A_183, %rem3A_189 : vector<16xi32>
    %ne3A_191 = arith.constant 0 : i32
    %ne3A_192 = vector.broadcast %ne3A_191 : i32 to vector<16xi32>
    %ne3A_193 = arith.cmpi ne, %rem3A_190, %ne3A_192 : vector<16xi32>
    %lt3A_194 = arith.constant 0 : i32
    %lt3A_195 = vector.broadcast %lt3A_194 : i32 to vector<16xi32>
    %lt3A_196 = arith.cmpi slt, %rem3A_190, %lt3A_195 : vector<16xi32>
    %lt3A_197 = arith.constant 0 : i32
    %lt3A_198 = arith.cmpi slt, %select_n3A_188, %lt3A_197 : i32
    %ne3A_199 = vector.broadcast %lt3A_198 : i1 to vector<16xi1>
    %ne3A_200 = vector.broadcast %ne3A_199 : vector<16xi1> to vector<16xi1>
    %ne3A_201 = arith.xori %lt3A_196, %ne3A_200 : vector<16xi1>
    %and3A_202 = arith.andi %ne3A_201, %ne3A_193 : vector<16xi1>
    %add3A_203 = vector.broadcast %select_n3A_188 : i32 to vector<16xi32>
    %add3A_204 = arith.addi %rem3A_190, %add3A_203 : vector<16xi32>
    %select_n3A_205 = arith.select %and3A_202, %add3A_204, %rem3A_190 : vector<16xi1>, vector<16xi32>
    %add3A_206 = arith.constant 48 : i32
    %add3A_207 = vector.broadcast %add3A_206 : i32 to vector<16xi32>
    %add3A_208 = arith.addi %iota3A, %add3A_207 : vector<16xi32>
    %jit3A_209 = arith.constant 8 : i32
    %eq3A_210 = arith.constant 0 : i32
    %eq3A_211 = arith.cmpi eq, %jit3A_209, %eq3A_210 : i32
    %jit3A_212 = arith.constant 1 : i32
    %select_n3A_213 = arith.select %eq3A_211, %jit3A_212, %jit3A_209 : i32
    %rem3A_214 = vector.broadcast %select_n3A_213 : i32 to vector<16xi32>
    %rem3A_215 = arith.remsi %add3A_208, %rem3A_214 : vector<16xi32>
    %ne3A_216 = arith.constant 0 : i32
    %ne3A_217 = vector.broadcast %ne3A_216 : i32 to vector<16xi32>
    %ne3A_218 = arith.cmpi ne, %rem3A_215, %ne3A_217 : vector<16xi32>
    %lt3A_219 = arith.constant 0 : i32
    %lt3A_220 = vector.broadcast %lt3A_219 : i32 to vector<16xi32>
    %lt3A_221 = arith.cmpi slt, %rem3A_215, %lt3A_220 : vector<16xi32>
    %lt3A_222 = arith.constant 0 : i32
    %lt3A_223 = arith.cmpi slt, %select_n3A_213, %lt3A_222 : i32
    %ne3A_224 = vector.broadcast %lt3A_223 : i1 to vector<16xi1>
    %ne3A_225 = vector.broadcast %ne3A_224 : vector<16xi1> to vector<16xi1>
    %ne3A_226 = arith.xori %lt3A_221, %ne3A_225 : vector<16xi1>
    %and3A_227 = arith.andi %ne3A_226, %ne3A_218 : vector<16xi1>
    %add3A_228 = vector.broadcast %select_n3A_213 : i32 to vector<16xi32>
    %add3A_229 = arith.addi %rem3A_215, %add3A_228 : vector<16xi32>
    %select_n3A_230 = arith.select %and3A_227, %add3A_229, %rem3A_215 : vector<16xi1>, vector<16xi32>
    %dma_start3A = arith.constant 0 : i32
    %dma_start3A_231 = arith.constant 0 : i32
    %dma_start3A_232 = arith.constant 0 : i32
    %dma_start3A_233 = tpu.memref_slice %arg5[%dma_start3A, %dma_start3A_232] : memref<50x512xi32, #tpu.memory_space<vmem>> -> memref<1x128xi32, #tpu.memory_space<vmem>>
    %dma_start3A_234 = tpu.memref_squeeze %dma_start3A_233 : memref<1x128xi32, #tpu.memory_space<vmem>> -> memref<128xi32, #tpu.memory_space<vmem>>
    %dma_start3A_235 = arith.constant 0 : i32
    %dma_start3A_236 = arith.constant 0 : i32
    %dma_start3A_237 = tpu.memref_slice %arg3[%dma_start3A_235, %dma_start3A_236] : memref<1000000x64xf32, #tpu.memory_space<hbm>> -> memref<1000000x64xf32, #tpu.memory_space<hbm>>
    %dma_start3A_238 = tpu.memref_slice %arg10[%dma_start3A_231] : memref<2x!tpu.dma_semaphore, #tpu.memory_space<semaphore_mem>> -> memref<1x!tpu.dma_semaphore, #tpu.memory_space<semaphore_mem>>
    %dma_start3A_239 = tpu.memref_squeeze %dma_start3A_238 : memref<1x!tpu.dma_semaphore, #tpu.memory_space<semaphore_mem>> -> memref<!tpu.dma_semaphore, #tpu.memory_space<semaphore_mem>>
    tpu.enqueue_indirect_dma source(%dma_start3A_237 : memref<1000000x64xf32, #tpu.memory_space<hbm>>) target(%arg6 : memref<128x64xf32, #tpu.memory_space<vmem>>) offsets(%dma_start3A_234 : memref<128xi32, #tpu.memory_space<vmem>>) semaphore(%dma_start3A_239 : memref<!tpu.dma_semaphore, #tpu.memory_space<semaphore_mem>>)
    %scan3A = arith.constant 0 : i32
    %scan3A_240 = arith.constant 100 : i32
    %scan3A_241 = arith.addi %scan3A, %scan3A_240 : i32
    %scan3A_242 = arith.constant 1 : i32
    scf.for %scan3A_289 = %scan3A to %scan3A_241 step %scan3A_242  : i32 {
      %mul3A_290 = arith.constant 2 : i32
      %mul3A_291 = arith.muli %scan3A_289, %mul3A_290 : i32
      %add3A_292 = arith.constant 0 : i32
      %add3A_293 = arith.addi %add3A_292, %mul3A_291 : i32
      %add3A_294 = arith.constant 0 : i32
      %add3A_295 = arith.addi %add3A_293, %add3A_294 : i32
      %add3A_296 = arith.constant 1 : i32
      %add3A_297 = arith.addi %add3A_295, %add3A_296 : i32
      %lt3A_298 = arith.constant 200 : i32
      %lt3A_299 = arith.cmpi slt, %add3A_297, %lt3A_298 : i32
      %convert_element_type3A = arith.extui %lt3A_299 : i1 to i32
      %cond3A = arith.constant 0 : i32
      %cond3A_300 = arith.cmpi ne, %convert_element_type3A, %cond3A : i32
      scf.if %cond3A_300 {
        %jit3A_471 = arith.constant 4 : i32
        %div3A_472 = arith.divsi %add3A_297, %jit3A_471 : i32
        %sign3A_473 = arith.constant 0 : i32
        %sign3A_474 = arith.cmpi sgt, %add3A_297, %sign3A_473 : i32
        %sign3A_475 = arith.extui %sign3A_474 : i1 to i32
        %sign3A_476 = arith.constant 0 : i32
        %sign3A_477 = arith.cmpi slt, %add3A_297, %sign3A_476 : i32
        %sign3A_478 = arith.extui %sign3A_477 : i1 to i32
        %sign3A_479 = arith.subi %sign3A_475, %sign3A_478 : i32
        %sign3A_480 = arith.constant 0 : i32
        %sign3A_481 = arith.cmpi sgt, %jit3A_471, %sign3A_480 : i32
        %sign3A_482 = arith.extui %sign3A_481 : i1 to i32
        %sign3A_483 = arith.constant 0 : i32
        %sign3A_484 = arith.cmpi slt, %jit3A_471, %sign3A_483 : i32
        %sign3A_485 = arith.extui %sign3A_484 : i1 to i32
        %sign3A_486 = arith.subi %sign3A_482, %sign3A_485 : i32
        %ne3A_487 = arith.cmpi ne, %sign3A_479, %sign3A_486 : i32
        %rem3A_488 = arith.remsi %add3A_297, %jit3A_471 : i32
        %ne3A_489 = arith.constant 0 : i32
        %ne3A_490 = arith.cmpi ne, %rem3A_488, %ne3A_489 : i32
        %and3A_491 = arith.andi %ne3A_487, %ne3A_490 : i1
        %sub3A_492 = arith.constant 1 : i32
        %sub3A_493 = arith.subi %div3A_472, %sub3A_492 : i32
        %select_n3A_494 = arith.select %and3A_491, %sub3A_493, %div3A_472 : i32
        %jit3A_495 = arith.constant 4 : i32
        %eq3A_496 = arith.constant 0 : i32
        %eq3A_497 = arith.cmpi eq, %jit3A_495, %eq3A_496 : i32
        %jit3A_498 = arith.constant 1 : i32
        %select_n3A_499 = arith.select %eq3A_497, %jit3A_498, %jit3A_495 : i32
        %rem3A_500 = arith.remsi %add3A_297, %select_n3A_499 : i32
        %ne3A_501 = arith.constant 0 : i32
        %ne3A_502 = arith.cmpi ne, %rem3A_500, %ne3A_501 : i32
        %lt3A_503 = arith.constant 0 : i32
        %lt3A_504 = arith.cmpi slt, %rem3A_500, %lt3A_503 : i32
        %lt3A_505 = arith.constant 0 : i32
        %lt3A_506 = arith.cmpi slt, %select_n3A_499, %lt3A_505 : i32
        %ne3A_507 = arith.xori %lt3A_504, %lt3A_506 : i1
        %and3A_508 = arith.andi %ne3A_507, %ne3A_502 : i1
        %add3A_509 = arith.addi %rem3A_500, %select_n3A_499 : i32
        %select_n3A_510 = arith.select %and3A_508, %add3A_509, %rem3A_500 : i32
        %mul3A_511 = arith.constant 128 : i32
        %mul3A_512 = arith.muli %select_n3A_510, %mul3A_511 : i32
        %dma_start3A_513 = arith.constant 1 : i32
        %dma_start3A_514 = tpu.memref_slice %arg5[%select_n3A_494, %mul3A_512] : memref<50x512xi32, #tpu.memory_space<vmem>> -> memref<1x128xi32, #tpu.memory_space<vmem>>
        %dma_start3A_515 = tpu.memref_squeeze %dma_start3A_514 : memref<1x128xi32, #tpu.memory_space<vmem>> -> memref<128xi32, #tpu.memory_space<vmem>>
        %dma_start3A_516 = arith.constant 0 : i32
        %dma_start3A_517 = arith.constant 0 : i32
        %dma_start3A_518 = tpu.memref_slice %arg3[%dma_start3A_516, %dma_start3A_517] : memref<1000000x64xf32, #tpu.memory_space<hbm>> -> memref<1000000x64xf32, #tpu.memory_space<hbm>>
        %dma_start3A_519 = tpu.memref_slice %arg10[%dma_start3A_513] : memref<2x!tpu.dma_semaphore, #tpu.memory_space<semaphore_mem>> -> memref<1x!tpu.dma_semaphore, #tpu.memory_space<semaphore_mem>>
        %dma_start3A_520 = tpu.memref_squeeze %dma_start3A_519 : memref<1x!tpu.dma_semaphore, #tpu.memory_space<semaphore_mem>> -> memref<!tpu.dma_semaphore, #tpu.memory_space<semaphore_mem>>
        tpu.enqueue_indirect_dma source(%dma_start3A_518 : memref<1000000x64xf32, #tpu.memory_space<hbm>>) target(%arg7 : memref<128x64xf32, #tpu.memory_space<vmem>>) offsets(%dma_start3A_515 : memref<128xi32, #tpu.memory_space<vmem>>) semaphore(%dma_start3A_520 : memref<!tpu.dma_semaphore, #tpu.memory_space<semaphore_mem>>)
      } else {
      }
      %dma_wait3A_301 = arith.constant 0 : i32
      %dma_wait3A_302 = arith.constant 0 : i32
      %dma_wait3A_303 = arith.constant 0 : i32
      %dma_wait3A_304 = tpu.memref_slice %arg3[%dma_wait3A_302, %dma_wait3A_303] : memref<1000000x64xf32, #tpu.memory_space<hbm>> -> memref<128x64xf32, #tpu.memory_space<hbm>>
      %dma_wait3A_305 = tpu.memref_slice %arg10[%dma_wait3A_301] : memref<2x!tpu.dma_semaphore, #tpu.memory_space<semaphore_mem>> -> memref<1x!tpu.dma_semaphore, #tpu.memory_space<semaphore_mem>>
      %dma_wait3A_306 = tpu.memref_squeeze %dma_wait3A_305 : memref<1x!tpu.dma_semaphore, #tpu.memory_space<semaphore_mem>> -> memref<!tpu.dma_semaphore, #tpu.memory_space<semaphore_mem>>
      %dma_wait3A_307 = arith.constant 0 : i32
      %dma_wait3A_308 = arith.constant 0 : i32
      %dma_wait3A_309 = tpu.memref_slice %arg3[%dma_wait3A_307, %dma_wait3A_308] : memref<1000000x64xf32, #tpu.memory_space<hbm>> -> memref<128x64xf32, #tpu.memory_space<hbm>>
      tpu.wait_dma2 semaphore(%dma_wait3A_306 : memref<!tpu.dma_semaphore, #tpu.memory_space<semaphore_mem>>) src(%dma_wait3A_309 : memref<128x64xf32, #tpu.memory_space<hbm>>) dst(%arg6 : memref<128x64xf32, #tpu.memory_space<vmem>>)
      %ge3A = arith.constant 2 : i32
      %ge3A_310 = arith.cmpi sge, %add3A_295, %ge3A : i32
      %convert_element_type3A_311 = arith.extui %ge3A_310 : i1 to i32
      %cond3A_312 = arith.constant 0 : i32
      %cond3A_313 = arith.cmpi ne, %convert_element_type3A_311, %cond3A_312 : i32
      scf.if %cond3A_313 {
        %dma_wait3A_471 = arith.constant 0 : i32
        %dma_wait3A_472 = arith.constant 0 : i32
        %dma_wait3A_473 = arith.constant 0 : i32
        %dma_wait3A_474 = arith.constant 0 : i32
        %dma_wait3A_475 = arith.constant 0 : i32
        %dma_wait3A_476 = arith.constant 0 : i32
        %dma_wait3A_477 = tpu.memref_slice %arg8[%dma_wait3A_474, %dma_wait3A_475, %dma_wait3A_476] : memref<8x8x129xf32, #tpu.memory_space<vmem>> -> memref<8x8x128xf32, #tpu.memory_space<vmem>>
        %dma_wait3A_478 = arith.constant 0 : i32
        %dma_wait3A_479 = arith.constant 0 : i32
        %dma_wait3A_480 = arith.constant 0 : i32
        %dma_wait3A_481 = tpu.memref_slice %arg4[%dma_wait3A_471, %dma_wait3A_478, %dma_wait3A_472, %dma_wait3A_479, %dma_wait3A_480] : memref<50x8x128x8x128xf32, #tpu.memory_space<hbm>> -> memref<1x8x1x8x128xf32, #tpu.memory_space<hbm>>
        %dma_wait3A_482 = tpu.memref_squeeze %dma_wait3A_481 : memref<1x8x1x8x128xf32, #tpu.memory_space<hbm>> -> memref<8x8x128xf32, #tpu.memory_space<hbm>>
        %dma_wait3A_483 = tpu.memref_slice %arg11[%dma_wait3A_473] : memref<2x!tpu.dma_semaphore, #tpu.memory_space<semaphore_mem>> -> memref<1x!tpu.dma_semaphore, #tpu.memory_space<semaphore_mem>>
        %dma_wait3A_484 = tpu.memref_squeeze %dma_wait3A_483 : memref<1x!tpu.dma_semaphore, #tpu.memory_space<semaphore_mem>> -> memref<!tpu.dma_semaphore, #tpu.memory_space<semaphore_mem>>
        %dma_wait3A_485 = arith.constant 0 : i32
        %dma_wait3A_486 = arith.constant 0 : i32
        %dma_wait3A_487 = arith.constant 0 : i32
        %dma_wait3A_488 = tpu.memref_slice %arg4[%dma_wait3A_471, %dma_wait3A_485, %dma_wait3A_472, %dma_wait3A_486, %dma_wait3A_487] : memref<50x8x128x8x128xf32, #tpu.memory_space<hbm>> -> memref<1x8x1x8x128xf32, #tpu.memory_space<hbm>>
        %dma_wait3A_489 = tpu.memref_squeeze %dma_wait3A_488 : memref<1x8x1x8x128xf32, #tpu.memory_space<hbm>> -> memref<8x8x128xf32, #tpu.memory_space<hbm>>
        %dma_wait3A_490 = arith.constant 0 : i32
        %dma_wait3A_491 = arith.constant 0 : i32
        %dma_wait3A_492 = arith.constant 0 : i32
        %dma_wait3A_493 = tpu.memref_slice %arg8[%dma_wait3A_490, %dma_wait3A_491, %dma_wait3A_492] : memref<8x8x129xf32, #tpu.memory_space<vmem>> -> memref<8x8x128xf32, #tpu.memory_space<vmem>>
        tpu.wait_dma2 semaphore(%dma_wait3A_484 : memref<!tpu.dma_semaphore, #tpu.memory_space<semaphore_mem>>) src(%dma_wait3A_493 : memref<8x8x128xf32, #tpu.memory_space<vmem>>) dst(%dma_wait3A_489 : memref<8x8x128xf32, #tpu.memory_space<hbm>>)
      } else {
      }
      %scan3A_314 = arith.constant 0 : i32
      %scan3A_315 = arith.constant 128 : i32
      %scan3A_316 = arith.addi %scan3A_314, %scan3A_315 : i32
      %scan3A_317 = arith.constant 8 : i32
      scf.for %scan3A_471 = %scan3A_314 to %scan3A_316 step %scan3A_317  : i32 {
        %mul3A_472 = arith.constant 1 : i32
        %mul3A_473 = arith.muli %scan3A_471, %mul3A_472 : i32
        %add3A_474 = arith.constant 0 : i32
        %add3A_475 = arith.addi %add3A_474, %mul3A_473 : i32
        %broadcast_in_dim3A = vector.broadcast %add3A_475 : i32 to vector<16xi32>
        %get3A = arith.index_cast %add3A_475 : i32 to index
        %get3A_476 = arith.constant 0 : index
        %get3A_477 = tpu.vector_load %arg6[%get3A, %get3A_476] {strides = array<i32>} : memref<128x64xf32, #tpu.memory_space<vmem>>, vector<16xf32>,
        %get3A_478 = arith.index_cast %add3A_475 : i32 to index
        %get3A_479 = arith.constant 16 : index
        %get3A_480 = tpu.vector_load %arg6[%get3A_478, %get3A_479] {strides = array<i32>} : memref<128x64xf32, #tpu.memory_space<vmem>>, vector<16xf32>,
        %get3A_481 = arith.index_cast %add3A_475 : i32 to index
        %get3A_482 = arith.constant 32 : index
        %get3A_483 = tpu.vector_load %arg6[%get3A_481, %get3A_482] {strides = array<i32>} : memref<128x64xf32, #tpu.memory_space<vmem>>, vector<16xf32>,
        %get3A_484 = arith.index_cast %add3A_475 : i32 to index
        %get3A_485 = arith.constant 48 : index
        %get3A_486 = tpu.vector_load %arg6[%get3A_484, %get3A_485] {strides = array<i32>} : memref<128x64xf32, #tpu.memory_space<vmem>>, vector<16xf32>,
        tpu.vector_store_idx %arg8[%select_n3A, %select_n3A_155, %broadcast_in_dim3A], %get3A_477 : memref<8x8x129xf32, #tpu.memory_space<vmem>>[vector<16xi32>, vector<16xi32>, vector<16xi32>], vector<16xf32>,
        tpu.vector_store_idx %arg8[%select_n3A_64, %select_n3A_180, %broadcast_in_dim3A], %get3A_480 : memref<8x8x129xf32, #tpu.memory_space<vmem>>[vector<16xi32>, vector<16xi32>, vector<16xi32>], vector<16xf32>,
        tpu.vector_store_idx %arg8[%select_n3A_98, %select_n3A_205, %broadcast_in_dim3A], %get3A_483 : memref<8x8x129xf32, #tpu.memory_space<vmem>>[vector<16xi32>, vector<16xi32>, vector<16xi32>], vector<16xf32>,
        tpu.vector_store_idx %arg8[%select_n3A_132, %select_n3A_230, %broadcast_in_dim3A], %get3A_486 : memref<8x8x129xf32, #tpu.memory_space<vmem>>[vector<16xi32>, vector<16xi32>, vector<16xi32>], vector<16xf32>,
        %scan3A_487 = arith.constant 1 : i32
        %scan3A_488 = arith.addi %scan3A_471, %scan3A_487 : i32
        %mul3A_489 = arith.constant 1 : i32
        %mul3A_490 = arith.muli %scan3A_488, %mul3A_489 : i32
        %add3A_491 = arith.constant 0 : i32
        %add3A_492 = arith.addi %add3A_491, %mul3A_490 : i32
        %broadcast_in_dim3A_493 = vector.broadcast %add3A_492 : i32 to vector<16xi32>
        %get3A_494 = arith.index_cast %add3A_492 : i32 to index
        %get3A_495 = arith.constant 0 : index
        %get3A_496 = tpu.vector_load %arg6[%get3A_494, %get3A_495] {strides = array<i32>} : memref<128x64xf32, #tpu.memory_space<vmem>>, vector<16xf32>,
        %get3A_497 = arith.index_cast %add3A_492 : i32 to index
        %get3A_498 = arith.constant 16 : index
        %get3A_499 = tpu.vector_load %arg6[%get3A_497, %get3A_498] {strides = array<i32>} : memref<128x64xf32, #tpu.memory_space<vmem>>, vector<16xf32>,
        %get3A_500 = arith.index_cast %add3A_492 : i32 to index
        %get3A_501 = arith.constant 32 : index
        %get3A_502 = tpu.vector_load %arg6[%get3A_500, %get3A_501] {strides = array<i32>} : memref<128x64xf32, #tpu.memory_space<vmem>>, vector<16xf32>,
        %get3A_503 = arith.index_cast %add3A_492 : i32 to index
        %get3A_504 = arith.constant 48 : index
        %get3A_505 = tpu.vector_load %arg6[%get3A_503, %get3A_504] {strides = array<i32>} : memref<128x64xf32, #tpu.memory_space<vmem>>, vector<16xf32>,
        tpu.vector_store_idx %arg8[%select_n3A, %select_n3A_155, %broadcast_in_dim3A_493], %get3A_496 : memref<8x8x129xf32, #tpu.memory_space<vmem>>[vector<16xi32>, vector<16xi32>, vector<16xi32>], vector<16xf32>,
        tpu.vector_store_idx %arg8[%select_n3A_64, %select_n3A_180, %broadcast_in_dim3A_493], %get3A_499 : memref<8x8x129xf32, #tpu.memory_space<vmem>>[vector<16xi32>, vector<16xi32>, vector<16xi32>], vector<16xf32>,
        tpu.vector_store_idx %arg8[%select_n3A_98, %select_n3A_205, %broadcast_in_dim3A_493], %get3A_502 : memref<8x8x129xf32, #tpu.memory_space<vmem>>[vector<16xi32>, vector<16xi32>, vector<16xi32>], vector<16xf32>,
        tpu.vector_store_idx %arg8[%select_n3A_132, %select_n3A_230, %broadcast_in_dim3A_493], %get3A_505 : memref<8x8x129xf32, #tpu.memory_space<vmem>>[vector<16xi32>, vector<16xi32>, vector<16xi32>], vector<16xf32>,
        %scan3A_506 = arith.constant 2 : i32
        %scan3A_507 = arith.addi %scan3A_471, %scan3A_506 : i32
        %mul3A_508 = arith.constant 1 : i32
        %mul3A_509 = arith.muli %scan3A_507, %mul3A_508 : i32
        %add3A_510 = arith.constant 0 : i32
        %add3A_511 = arith.addi %add3A_510, %mul3A_509 : i32
        %broadcast_in_dim3A_512 = vector.broadcast %add3A_511 : i32 to vector<16xi32>
        %get3A_513 = arith.index_cast %add3A_511 : i32 to index
        %get3A_514 = arith.constant 0 : index
        %get3A_515 = tpu.vector_load %arg6[%get3A_513, %get3A_514] {strides = array<i32>} : memref<128x64xf32, #tpu.memory_space<vmem>>, vector<16xf32>,
        %get3A_516 = arith.index_cast %add3A_511 : i32 to index
        %get3A_517 = arith.constant 16 : index
        %get3A_518 = tpu.vector_load %arg6[%get3A_516, %get3A_517] {strides = array<i32>} : memref<128x64xf32, #tpu.memory_space<vmem>>, vector<16xf32>,
        %get3A_519 = arith.index_cast %add3A_511 : i32 to index
        %get3A_520 = arith.constant 32 : index
        %get3A_521 = tpu.vector_load %arg6[%get3A_519, %get3A_520] {strides = array<i32>} : memref<128x64xf32, #tpu.memory_space<vmem>>, vector<16xf32>,
        %get3A_522 = arith.index_cast %add3A_511 : i32 to index
        %get3A_523 = arith.constant 48 : index
        %get3A_524 = tpu.vector_load %arg6[%get3A_522, %get3A_523] {strides = array<i32>} : memref<128x64xf32, #tpu.memory_space<vmem>>, vector<16xf32>,
        tpu.vector_store_idx %arg8[%select_n3A, %select_n3A_155, %broadcast_in_dim3A_512], %get3A_515 : memref<8x8x129xf32, #tpu.memory_space<vmem>>[vector<16xi32>, vector<16xi32>, vector<16xi32>], vector<16xf32>,
        tpu.vector_store_idx %arg8[%select_n3A_64, %select_n3A_180, %broadcast_in_dim3A_512], %get3A_518 : memref<8x8x129xf32, #tpu.memory_space<vmem>>[vector<16xi32>, vector<16xi32>, vector<16xi32>], vector<16xf32>,
        tpu.vector_store_idx %arg8[%select_n3A_98, %select_n3A_205, %broadcast_in_dim3A_512], %get3A_521 : memref<8x8x129xf32, #tpu.memory_space<vmem>>[vector<16xi32>, vector<16xi32>, vector<16xi32>], vector<16xf32>,
        tpu.vector_store_idx %arg8[%select_n3A_132, %select_n3A_230, %broadcast_in_dim3A_512], %get3A_524 : memref<8x8x129xf32, #tpu.memory_space<vmem>>[vector<16xi32>, vector<16xi32>, vector<16xi32>], vector<16xf32>,
        %scan3A_525 = arith.constant 3 : i32
        %scan3A_526 = arith.addi %scan3A_471, %scan3A_525 : i32
        %mul3A_527 = arith.constant 1 : i32
        %mul3A_528 = arith.muli %scan3A_526, %mul3A_527 : i32
        %add3A_529 = arith.constant 0 : i32
        %add3A_530 = arith.addi %add3A_529, %mul3A_528 : i32
        %broadcast_in_dim3A_531 = vector.broadcast %add3A_530 : i32 to vector<16xi32>
        %get3A_532 = arith.index_cast %add3A_530 : i32 to index
        %get3A_533 = arith.constant 0 : index
        %get3A_534 = tpu.vector_load %arg6[%get3A_532, %get3A_533] {strides = array<i32>} : memref<128x64xf32, #tpu.memory_space<vmem>>, vector<16xf32>,
        %get3A_535 = arith.index_cast %add3A_530 : i32 to index
        %get3A_536 = arith.constant 16 : index
        %get3A_537 = tpu.vector_load %arg6[%get3A_535, %get3A_536] {strides = array<i32>} : memref<128x64xf32, #tpu.memory_space<vmem>>, vector<16xf32>,
        %get3A_538 = arith.index_cast %add3A_530 : i32 to index
        %get3A_539 = arith.constant 32 : index
        %get3A_540 = tpu.vector_load %arg6[%get3A_538, %get3A_539] {strides = array<i32>} : memref<128x64xf32, #tpu.memory_space<vmem>>, vector<16xf32>,
        %get3A_541 = arith.index_cast %add3A_530 : i32 to index
        %get3A_542 = arith.constant 48 : index
        %get3A_543 = tpu.vector_load %arg6[%get3A_541, %get3A_542] {strides = array<i32>} : memref<128x64xf32, #tpu.memory_space<vmem>>, vector<16xf32>,
        tpu.vector_store_idx %arg8[%select_n3A, %select_n3A_155, %broadcast_in_dim3A_531], %get3A_534 : memref<8x8x129xf32, #tpu.memory_space<vmem>>[vector<16xi32>, vector<16xi32>, vector<16xi32>], vector<16xf32>,
        tpu.vector_store_idx %arg8[%select_n3A_64, %select_n3A_180, %broadcast_in_dim3A_531], %get3A_537 : memref<8x8x129xf32, #tpu.memory_space<vmem>>[vector<16xi32>, vector<16xi32>, vector<16xi32>], vector<16xf32>,
        tpu.vector_store_idx %arg8[%select_n3A_98, %select_n3A_205, %broadcast_in_dim3A_531], %get3A_540 : memref<8x8x129xf32, #tpu.memory_space<vmem>>[vector<16xi32>, vector<16xi32>, vector<16xi32>], vector<16xf32>,
        tpu.vector_store_idx %arg8[%select_n3A_132, %select_n3A_230, %broadcast_in_dim3A_531], %get3A_543 : memref<8x8x129xf32, #tpu.memory_space<vmem>>[vector<16xi32>, vector<16xi32>, vector<16xi32>], vector<16xf32>,
        %scan3A_544 = arith.constant 4 : i32
        %scan3A_545 = arith.addi %scan3A_471, %scan3A_544 : i32
        %mul3A_546 = arith.constant 1 : i32
        %mul3A_547 = arith.muli %scan3A_545, %mul3A_546 : i32
        %add3A_548 = arith.constant 0 : i32
        %add3A_549 = arith.addi %add3A_548, %mul3A_547 : i32
        %broadcast_in_dim3A_550 = vector.broadcast %add3A_549 : i32 to vector<16xi32>
        %get3A_551 = arith.index_cast %add3A_549 : i32 to index
        %get3A_552 = arith.constant 0 : index
        %get3A_553 = tpu.vector_load %arg6[%get3A_551, %get3A_552] {strides = array<i32>} : memref<128x64xf32, #tpu.memory_space<vmem>>, vector<16xf32>,
        %get3A_554 = arith.index_cast %add3A_549 : i32 to index
        %get3A_555 = arith.constant 16 : index
        %get3A_556 = tpu.vector_load %arg6[%get3A_554, %get3A_555] {strides = array<i32>} : memref<128x64xf32, #tpu.memory_space<vmem>>, vector<16xf32>,
        %get3A_557 = arith.index_cast %add3A_549 : i32 to index
        %get3A_558 = arith.constant 32 : index
        %get3A_559 = tpu.vector_load %arg6[%get3A_557, %get3A_558] {strides = array<i32>} : memref<128x64xf32, #tpu.memory_space<vmem>>, vector<16xf32>,
        %get3A_560 = arith.index_cast %add3A_549 : i32 to index
        %get3A_561 = arith.constant 48 : index
        %get3A_562 = tpu.vector_load %arg6[%get3A_560, %get3A_561] {strides = array<i32>} : memref<128x64xf32, #tpu.memory_space<vmem>>, vector<16xf32>,
        tpu.vector_store_idx %arg8[%select_n3A, %select_n3A_155, %broadcast_in_dim3A_550], %get3A_553 : memref<8x8x129xf32, #tpu.memory_space<vmem>>[vector<16xi32>, vector<16xi32>, vector<16xi32>], vector<16xf32>,
        tpu.vector_store_idx %arg8[%select_n3A_64, %select_n3A_180, %broadcast_in_dim3A_550], %get3A_556 : memref<8x8x129xf32, #tpu.memory_space<vmem>>[vector<16xi32>, vector<16xi32>, vector<16xi32>], vector<16xf32>,
        tpu.vector_store_idx %arg8[%select_n3A_98, %select_n3A_205, %broadcast_in_dim3A_550], %get3A_559 : memref<8x8x129xf32, #tpu.memory_space<vmem>>[vector<16xi32>, vector<16xi32>, vector<16xi32>], vector<16xf32>,
        tpu.vector_store_idx %arg8[%select_n3A_132, %select_n3A_230, %broadcast_in_dim3A_550], %get3A_562 : memref<8x8x129xf32, #tpu.memory_space<vmem>>[vector<16xi32>, vector<16xi32>, vector<16xi32>], vector<16xf32>,
        %scan3A_563 = arith.constant 5 : i32
        %scan3A_564 = arith.addi %scan3A_471, %scan3A_563 : i32
        %mul3A_565 = arith.constant 1 : i32
        %mul3A_566 = arith.muli %scan3A_564, %mul3A_565 : i32
        %add3A_567 = arith.constant 0 : i32
        %add3A_568 = arith.addi %add3A_567, %mul3A_566 : i32
        %broadcast_in_dim3A_569 = vector.broadcast %add3A_568 : i32 to vector<16xi32>
        %get3A_570 = arith.index_cast %add3A_568 : i32 to index
        %get3A_571 = arith.constant 0 : index
        %get3A_572 = tpu.vector_load %arg6[%get3A_570, %get3A_571] {strides = array<i32>} : memref<128x64xf32, #tpu.memory_space<vmem>>, vector<16xf32>,
        %get3A_573 = arith.index_cast %add3A_568 : i32 to index
        %get3A_574 = arith.constant 16 : index
        %get3A_575 = tpu.vector_load %arg6[%get3A_573, %get3A_574] {strides = array<i32>} : memref<128x64xf32, #tpu.memory_space<vmem>>, vector<16xf32>,
        %get3A_576 = arith.index_cast %add3A_568 : i32 to index
        %get3A_577 = arith.constant 32 : index
        %get3A_578 = tpu.vector_load %arg6[%get3A_576, %get3A_577] {strides = array<i32>} : memref<128x64xf32, #tpu.memory_space<vmem>>, vector<16xf32>,
        %get3A_579 = arith.index_cast %add3A_568 : i32 to index
        %get3A_580 = arith.constant 48 : index
        %get3A_581 = tpu.vector_load %arg6[%get3A_579, %get3A_580] {strides = array<i32>} : memref<128x64xf32, #tpu.memory_space<vmem>>, vector<16xf32>,
        tpu.vector_store_idx %arg8[%select_n3A, %select_n3A_155, %broadcast_in_dim3A_569], %get3A_572 : memref<8x8x129xf32, #tpu.memory_space<vmem>>[vector<16xi32>, vector<16xi32>, vector<16xi32>], vector<16xf32>,
        tpu.vector_store_idx %arg8[%select_n3A_64, %select_n3A_180, %broadcast_in_dim3A_569], %get3A_575 : memref<8x8x129xf32, #tpu.memory_space<vmem>>[vector<16xi32>, vector<16xi32>, vector<16xi32>], vector<16xf32>,
        tpu.vector_store_idx %arg8[%select_n3A_98, %select_n3A_205, %broadcast_in_dim3A_569], %get3A_578 : memref<8x8x129xf32, #tpu.memory_space<vmem>>[vector<16xi32>, vector<16xi32>, vector<16xi32>], vector<16xf32>,
        tpu.vector_store_idx %arg8[%select_n3A_132, %select_n3A_230, %broadcast_in_dim3A_569], %get3A_581 : memref<8x8x129xf32, #tpu.memory_space<vmem>>[vector<16xi32>, vector<16xi32>, vector<16xi32>], vector<16xf32>,
        %scan3A_582 = arith.constant 6 : i32
        %scan3A_583 = arith.addi %scan3A_471, %scan3A_582 : i32
        %mul3A_584 = arith.constant 1 : i32
        %mul3A_585 = arith.muli %scan3A_583, %mul3A_584 : i32
        %add3A_586 = arith.constant 0 : i32
        %add3A_587 = arith.addi %add3A_586, %mul3A_585 : i32
        %broadcast_in_dim3A_588 = vector.broadcast %add3A_587 : i32 to vector<16xi32>
        %get3A_589 = arith.index_cast %add3A_587 : i32 to index
        %get3A_590 = arith.constant 0 : index
        %get3A_591 = tpu.vector_load %arg6[%get3A_589, %get3A_590] {strides = array<i32>} : memref<128x64xf32, #tpu.memory_space<vmem>>, vector<16xf32>,
        %get3A_592 = arith.index_cast %add3A_587 : i32 to index
        %get3A_593 = arith.constant 16 : index
        %get3A_594 = tpu.vector_load %arg6[%get3A_592, %get3A_593] {strides = array<i32>} : memref<128x64xf32, #tpu.memory_space<vmem>>, vector<16xf32>,
        %get3A_595 = arith.index_cast %add3A_587 : i32 to index
        %get3A_596 = arith.constant 32 : index
        %get3A_597 = tpu.vector_load %arg6[%get3A_595, %get3A_596] {strides = array<i32>} : memref<128x64xf32, #tpu.memory_space<vmem>>, vector<16xf32>,
        %get3A_598 = arith.index_cast %add3A_587 : i32 to index
        %get3A_599 = arith.constant 48 : index
        %get3A_600 = tpu.vector_load %arg6[%get3A_598, %get3A_599] {strides = array<i32>} : memref<128x64xf32, #tpu.memory_space<vmem>>, vector<16xf32>,
        tpu.vector_store_idx %arg8[%select_n3A, %select_n3A_155, %broadcast_in_dim3A_588], %get3A_591 : memref<8x8x129xf32, #tpu.memory_space<vmem>>[vector<16xi32>, vector<16xi32>, vector<16xi32>], vector<16xf32>,
        tpu.vector_store_idx %arg8[%select_n3A_64, %select_n3A_180, %broadcast_in_dim3A_588], %get3A_594 : memref<8x8x129xf32, #tpu.memory_space<vmem>>[vector<16xi32>, vector<16xi32>, vector<16xi32>], vector<16xf32>,
        tpu.vector_store_idx %arg8[%select_n3A_98, %select_n3A_205, %broadcast_in_dim3A_588], %get3A_597 : memref<8x8x129xf32, #tpu.memory_space<vmem>>[vector<16xi32>, vector<16xi32>, vector<16xi32>], vector<16xf32>,
        tpu.vector_store_idx %arg8[%select_n3A_132, %select_n3A_230, %broadcast_in_dim3A_588], %get3A_600 : memref<8x8x129xf32, #tpu.memory_space<vmem>>[vector<16xi32>, vector<16xi32>, vector<16xi32>], vector<16xf32>,
        %scan3A_601 = arith.constant 7 : i32
        %scan3A_602 = arith.addi %scan3A_471, %scan3A_601 : i32
        %mul3A_603 = arith.constant 1 : i32
        %mul3A_604 = arith.muli %scan3A_602, %mul3A_603 : i32
        %add3A_605 = arith.constant 0 : i32
        %add3A_606 = arith.addi %add3A_605, %mul3A_604 : i32
        %broadcast_in_dim3A_607 = vector.broadcast %add3A_606 : i32 to vector<16xi32>
        %get3A_608 = arith.index_cast %add3A_606 : i32 to index
        %get3A_609 = arith.constant 0 : index
        %get3A_610 = tpu.vector_load %arg6[%get3A_608, %get3A_609] {strides = array<i32>} : memref<128x64xf32, #tpu.memory_space<vmem>>, vector<16xf32>,
        %get3A_611 = arith.index_cast %add3A_606 : i32 to index
        %get3A_612 = arith.constant 16 : index
        %get3A_613 = tpu.vector_load %arg6[%get3A_611, %get3A_612] {strides = array<i32>} : memref<128x64xf32, #tpu.memory_space<vmem>>, vector<16xf32>,
        %get3A_614 = arith.index_cast %add3A_606 : i32 to index
        %get3A_615 = arith.constant 32 : index
        %get3A_616 = tpu.vector_load %arg6[%get3A_614, %get3A_615] {strides = array<i32>} : memref<128x64xf32, #tpu.memory_space<vmem>>, vector<16xf32>,
        %get3A_617 = arith.index_cast %add3A_606 : i32 to index
        %get3A_618 = arith.constant 48 : index
        %get3A_619 = tpu.vector_load %arg6[%get3A_617, %get3A_618] {strides = array<i32>} : memref<128x64xf32, #tpu.memory_space<vmem>>, vector<16xf32>,
        tpu.vector_store_idx %arg8[%select_n3A, %select_n3A_155, %broadcast_in_dim3A_607], %get3A_610 : memref<8x8x129xf32, #tpu.memory_space<vmem>>[vector<16xi32>, vector<16xi32>, vector<16xi32>], vector<16xf32>,
        tpu.vector_store_idx %arg8[%select_n3A_64, %select_n3A_180, %broadcast_in_dim3A_607], %get3A_613 : memref<8x8x129xf32, #tpu.memory_space<vmem>>[vector<16xi32>, vector<16xi32>, vector<16xi32>], vector<16xf32>,
        tpu.vector_store_idx %arg8[%select_n3A_98, %select_n3A_205, %broadcast_in_dim3A_607], %get3A_616 : memref<8x8x129xf32, #tpu.memory_space<vmem>>[vector<16xi32>, vector<16xi32>, vector<16xi32>], vector<16xf32>,
        tpu.vector_store_idx %arg8[%select_n3A_132, %select_n3A_230, %broadcast_in_dim3A_607], %get3A_619 : memref<8x8x129xf32, #tpu.memory_space<vmem>>[vector<16xi32>, vector<16xi32>, vector<16xi32>], vector<16xf32>,
      }
      %scan3A_318 = arith.constant 128 : i32
      %jit3A_319 = arith.constant 4 : i32
      %div3A_320 = arith.divsi %add3A_295, %jit3A_319 : i32
      %sign3A_321 = arith.constant 0 : i32
      %sign3A_322 = arith.cmpi sgt, %add3A_295, %sign3A_321 : i32
      %sign3A_323 = arith.extui %sign3A_322 : i1 to i32
      %sign3A_324 = arith.constant 0 : i32
      %sign3A_325 = arith.cmpi slt, %add3A_295, %sign3A_324 : i32
      %sign3A_326 = arith.extui %sign3A_325 : i1 to i32
      %sign3A_327 = arith.subi %sign3A_323, %sign3A_326 : i32
      %sign3A_328 = arith.constant 0 : i32
      %sign3A_329 = arith.cmpi sgt, %jit3A_319, %sign3A_328 : i32
      %sign3A_330 = arith.extui %sign3A_329 : i1 to i32
      %sign3A_331 = arith.constant 0 : i32
      %sign3A_332 = arith.cmpi slt, %jit3A_319, %sign3A_331 : i32
      %sign3A_333 = arith.extui %sign3A_332 : i1 to i32
      %sign3A_334 = arith.subi %sign3A_330, %sign3A_333 : i32
      %ne3A_335 = arith.cmpi ne, %sign3A_327, %sign3A_334 : i32
      %rem3A_336 = arith.remsi %add3A_295, %jit3A_319 : i32
      %ne3A_337 = arith.constant 0 : i32
      %ne3A_338 = arith.cmpi ne, %rem3A_336, %ne3A_337 : i32
      %and3A_339 = arith.andi %ne3A_335, %ne3A_338 : i1
      %sub3A_340 = arith.constant 1 : i32
      %sub3A_341 = arith.subi %div3A_320, %sub3A_340 : i32
      %select_n3A_342 = arith.select %and3A_339, %sub3A_341, %div3A_320 : i32
      %jit3A_343 = arith.constant 4 : i32
      %eq3A_344 = arith.constant 0 : i32
      %eq3A_345 = arith.cmpi eq, %jit3A_343, %eq3A_344 : i32
      %jit3A_346 = arith.constant 1 : i32
      %select_n3A_347 = arith.select %eq3A_345, %jit3A_346, %jit3A_343 : i32
      %rem3A_348 = arith.remsi %add3A_295, %select_n3A_347 : i32
      %ne3A_349 = arith.constant 0 : i32
      %ne3A_350 = arith.cmpi ne, %rem3A_348, %ne3A_349 : i32
      %lt3A_351 = arith.constant 0 : i32
      %lt3A_352 = arith.cmpi slt, %rem3A_348, %lt3A_351 : i32
      %lt3A_353 = arith.constant 0 : i32
      %lt3A_354 = arith.cmpi slt, %select_n3A_347, %lt3A_353 : i32
      %ne3A_355 = arith.xori %lt3A_352, %lt3A_354 : i1
      %and3A_356 = arith.andi %ne3A_355, %ne3A_350 : i1
      %add3A_357 = arith.addi %rem3A_348, %select_n3A_347 : i32
      %select_n3A_358 = arith.select %and3A_356, %add3A_357, %rem3A_348 : i32
      %add3A_359 = arith.addi %mul3A_4, %select_n3A_358 : i32
      %dma_start3A_360 = arith.constant 0 : i32
      %dma_start3A_361 = arith.constant 0 : i32
      %dma_start3A_362 = arith.constant 0 : i32
      %dma_start3A_363 = arith.constant 0 : i32
      %dma_start3A_364 = tpu.memref_slice %arg8[%dma_start3A_361, %dma_start3A_362, %dma_start3A_363] : memref<8x8x129xf32, #tpu.memory_space<vmem>> -> memref<8x8x128xf32, #tpu.memory_space<vmem>>
      %dma_start3A_365 = arith.constant 0 : i32
      %dma_start3A_366 = arith.constant 0 : i32
      %dma_start3A_367 = arith.constant 0 : i32
      %dma_start3A_368 = tpu.memref_slice %arg4[%select_n3A_342, %dma_start3A_365, %add3A_359, %dma_start3A_366, %dma_start3A_367] : memref<50x8x128x8x128xf32, #tpu.memory_space<hbm>> -> memref<1x8x1x8x128xf32, #tpu.memory_space<hbm>>
      %dma_start3A_369 = tpu.memref_squeeze %dma_start3A_368 : memref<1x8x1x8x128xf32, #tpu.memory_space<hbm>> -> memref<8x8x128xf32, #tpu.memory_space<hbm>>
      %dma_start3A_370 = tpu.memref_slice %arg11[%dma_start3A_360] : memref<2x!tpu.dma_semaphore, #tpu.memory_space<semaphore_mem>> -> memref<1x!tpu.dma_semaphore, #tpu.memory_space<semaphore_mem>>
      %dma_start3A_371 = tpu.memref_squeeze %dma_start3A_370 : memref<1x!tpu.dma_semaphore, #tpu.memory_space<semaphore_mem>> -> memref<!tpu.dma_semaphore, #tpu.memory_space<semaphore_mem>>
      %dma_start3A_372 = arith.constant 0 : i32
      %dma_start3A_373 = arith.constant 0 : i32
      %dma_start3A_374 = arith.constant 0 : i32
      %dma_start3A_375 = tpu.memref_slice %arg4[%select_n3A_342, %dma_start3A_372, %add3A_359, %dma_start3A_373, %dma_start3A_374] : memref<50x8x128x8x128xf32, #tpu.memory_space<hbm>> -> memref<1x8x1x8x128xf32, #tpu.memory_space<hbm>>
      %dma_start3A_376 = tpu.memref_squeeze %dma_start3A_375 : memref<1x8x1x8x128xf32, #tpu.memory_space<hbm>> -> memref<8x8x128xf32, #tpu.memory_space<hbm>>
      %dma_start3A_377 = arith.constant 0 : i32
      %dma_start3A_378 = arith.constant 0 : i32
      %dma_start3A_379 = arith.constant 0 : i32
      %dma_start3A_380 = tpu.memref_slice %arg8[%dma_start3A_377, %dma_start3A_378, %dma_start3A_379] : memref<8x8x129xf32, #tpu.memory_space<vmem>> -> memref<8x8x128xf32, #tpu.memory_space<vmem>>
      tpu.enqueue_dma source(%dma_start3A_380 : memref<8x8x128xf32, #tpu.memory_space<vmem>>) target(%dma_start3A_376 : memref<8x8x128xf32, #tpu.memory_space<hbm>>) target_semaphore(%dma_start3A_371 : memref<!tpu.dma_semaphore, #tpu.memory_space<semaphore_mem>>)
      %add3A_381 = arith.constant 1 : i32
      %add3A_382 = arith.addi %add3A_293, %add3A_381 : i32
      %add3A_383 = arith.constant 1 : i32
      %add3A_384 = arith.addi %add3A_382, %add3A_383 : i32
      %lt3A_385 = arith.constant 200 : i32
      %lt3A_386 = arith.cmpi slt, %add3A_384, %lt3A_385 : i32
      %convert_element_type3A_387 = arith.extui %lt3A_386 : i1 to i32
      %cond3A_388 = arith.constant 0 : i32
      %cond3A_389 = arith.cmpi ne, %convert_element_type3A_387, %cond3A_388 : i32
      scf.if %cond3A_389 {
        %jit3A_471 = arith.constant 4 : i32
        %div3A_472 = arith.divsi %add3A_384, %jit3A_471 : i32
        %sign3A_473 = arith.constant 0 : i32
        %sign3A_474 = arith.cmpi sgt, %add3A_384, %sign3A_473 : i32
        %sign3A_475 = arith.extui %sign3A_474 : i1 to i32
        %sign3A_476 = arith.constant 0 : i32
        %sign3A_477 = arith.cmpi slt, %add3A_384, %sign3A_476 : i32
        %sign3A_478 = arith.extui %sign3A_477 : i1 to i32
        %sign3A_479 = arith.subi %sign3A_475, %sign3A_478 : i32
        %sign3A_480 = arith.constant 0 : i32
        %sign3A_481 = arith.cmpi sgt, %jit3A_471, %sign3A_480 : i32
        %sign3A_482 = arith.extui %sign3A_481 : i1 to i32
        %sign3A_483 = arith.constant 0 : i32
        %sign3A_484 = arith.cmpi slt, %jit3A_471, %sign3A_483 : i32
        %sign3A_485 = arith.extui %sign3A_484 : i1 to i32
        %sign3A_486 = arith.subi %sign3A_482, %sign3A_485 : i32
        %ne3A_487 = arith.cmpi ne, %sign3A_479, %sign3A_486 : i32
        %rem3A_488 = arith.remsi %add3A_384, %jit3A_471 : i32
        %ne3A_489 = arith.constant 0 : i32
        %ne3A_490 = arith.cmpi ne, %rem3A_488, %ne3A_489 : i32
        %and3A_491 = arith.andi %ne3A_487, %ne3A_490 : i1
        %sub3A_492 = arith.constant 1 : i32
        %sub3A_493 = arith.subi %div3A_472, %sub3A_492 : i32
        %select_n3A_494 = arith.select %and3A_491, %sub3A_493, %div3A_472 : i32
        %jit3A_495 = arith.constant 4 : i32
        %eq3A_496 = arith.constant 0 : i32
        %eq3A_497 = arith.cmpi eq, %jit3A_495, %eq3A_496 : i32
        %jit3A_498 = arith.constant 1 : i32
        %select_n3A_499 = arith.select %eq3A_497, %jit3A_498, %jit3A_495 : i32
        %rem3A_500 = arith.remsi %add3A_384, %select_n3A_499 : i32
        %ne3A_501 = arith.constant 0 : i32
        %ne3A_502 = arith.cmpi ne, %rem3A_500, %ne3A_501 : i32
        %lt3A_503 = arith.constant 0 : i32
        %lt3A_504 = arith.cmpi slt, %rem3A_500, %lt3A_503 : i32
        %lt3A_505 = arith.constant 0 : i32
        %lt3A_506 = arith.cmpi slt, %select_n3A_499, %lt3A_505 : i32
        %ne3A_507 = arith.xori %lt3A_504, %lt3A_506 : i1
        %and3A_508 = arith.andi %ne3A_507, %ne3A_502 : i1
        %add3A_509 = arith.addi %rem3A_500, %select_n3A_499 : i32
        %select_n3A_510 = arith.select %and3A_508, %add3A_509, %rem3A_500 : i32
        %mul3A_511 = arith.constant 128 : i32
        %mul3A_512 = arith.muli %select_n3A_510, %mul3A_511 : i32
        %dma_start3A_513 = arith.constant 0 : i32
        %dma_start3A_514 = tpu.memref_slice %arg5[%select_n3A_494, %mul3A_512] : memref<50x512xi32, #tpu.memory_space<vmem>> -> memref<1x128xi32, #tpu.memory_space<vmem>>
        %dma_start3A_515 = tpu.memref_squeeze %dma_start3A_514 : memref<1x128xi32, #tpu.memory_space<vmem>> -> memref<128xi32, #tpu.memory_space<vmem>>
        %dma_start3A_516 = arith.constant 0 : i32
        %dma_start3A_517 = arith.constant 0 : i32
        %dma_start3A_518 = tpu.memref_slice %arg3[%dma_start3A_516, %dma_start3A_517] : memref<1000000x64xf32, #tpu.memory_space<hbm>> -> memref<1000000x64xf32, #tpu.memory_space<hbm>>
        %dma_start3A_519 = tpu.memref_slice %arg10[%dma_start3A_513] : memref<2x!tpu.dma_semaphore, #tpu.memory_space<semaphore_mem>> -> memref<1x!tpu.dma_semaphore, #tpu.memory_space<semaphore_mem>>
        %dma_start3A_520 = tpu.memref_squeeze %dma_start3A_519 : memref<1x!tpu.dma_semaphore, #tpu.memory_space<semaphore_mem>> -> memref<!tpu.dma_semaphore, #tpu.memory_space<semaphore_mem>>
        tpu.enqueue_indirect_dma source(%dma_start3A_518 : memref<1000000x64xf32, #tpu.memory_space<hbm>>) target(%arg6 : memref<128x64xf32, #tpu.memory_space<vmem>>) offsets(%dma_start3A_515 : memref<128xi32, #tpu.memory_space<vmem>>) semaphore(%dma_start3A_520 : memref<!tpu.dma_semaphore, #tpu.memory_space<semaphore_mem>>)
      } else {
      }
      %dma_wait3A_390 = arith.constant 1 : i32
      %dma_wait3A_391 = arith.constant 0 : i32
      %dma_wait3A_392 = arith.constant 0 : i32
      %dma_wait3A_393 = tpu.memref_slice %arg3[%dma_wait3A_391, %dma_wait3A_392] : memref<1000000x64xf32, #tpu.memory_space<hbm>> -> memref<128x64xf32, #tpu.memory_space<hbm>>
      %dma_wait3A_394 = tpu.memref_slice %arg10[%dma_wait3A_390] : memref<2x!tpu.dma_semaphore, #tpu.memory_space<semaphore_mem>> -> memref<1x!tpu.dma_semaphore, #tpu.memory_space<semaphore_mem>>
      %dma_wait3A_395 = tpu.memref_squeeze %dma_wait3A_394 : memref<1x!tpu.dma_semaphore, #tpu.memory_space<semaphore_mem>> -> memref<!tpu.dma_semaphore, #tpu.memory_space<semaphore_mem>>
      %dma_wait3A_396 = arith.constant 0 : i32
      %dma_wait3A_397 = arith.constant 0 : i32
      %dma_wait3A_398 = tpu.memref_slice %arg3[%dma_wait3A_396, %dma_wait3A_397] : memref<1000000x64xf32, #tpu.memory_space<hbm>> -> memref<128x64xf32, #tpu.memory_space<hbm>>
      tpu.wait_dma2 semaphore(%dma_wait3A_395 : memref<!tpu.dma_semaphore, #tpu.memory_space<semaphore_mem>>) src(%dma_wait3A_398 : memref<128x64xf32, #tpu.memory_space<hbm>>) dst(%arg7 : memref<128x64xf32, #tpu.memory_space<vmem>>)
      %ge3A_399 = arith.constant 2 : i32
      %ge3A_400 = arith.cmpi sge, %add3A_382, %ge3A_399 : i32
      %convert_element_type3A_401 = arith.extui %ge3A_400 : i1 to i32
      %cond3A_402 = arith.constant 0 : i32
      %cond3A_403 = arith.cmpi ne, %convert_element_type3A_401, %cond3A_402 : i32
      scf.if %cond3A_403 {
        %dma_wait3A_471 = arith.constant 0 : i32
        %dma_wait3A_472 = arith.constant 0 : i32
        %dma_wait3A_473 = arith.constant 1 : i32
        %dma_wait3A_474 = arith.constant 0 : i32
        %dma_wait3A_475 = arith.constant 0 : i32
        %dma_wait3A_476 = arith.constant 0 : i32
        %dma_wait3A_477 = tpu.memref_slice %arg9[%dma_wait3A_474, %dma_wait3A_475, %dma_wait3A_476] : memref<8x8x129xf32, #tpu.memory_space<vmem>> -> memref<8x8x128xf32, #tpu.memory_space<vmem>>
        %dma_wait3A_478 = arith.constant 0 : i32
        %dma_wait3A_479 = arith.constant 0 : i32
        %dma_wait3A_480 = arith.constant 0 : i32
        %dma_wait3A_481 = tpu.memref_slice %arg4[%dma_wait3A_471, %dma_wait3A_478, %dma_wait3A_472, %dma_wait3A_479, %dma_wait3A_480] : memref<50x8x128x8x128xf32, #tpu.memory_space<hbm>> -> memref<1x8x1x8x128xf32, #tpu.memory_space<hbm>>
        %dma_wait3A_482 = tpu.memref_squeeze %dma_wait3A_481 : memref<1x8x1x8x128xf32, #tpu.memory_space<hbm>> -> memref<8x8x128xf32, #tpu.memory_space<hbm>>
        %dma_wait3A_483 = tpu.memref_slice %arg11[%dma_wait3A_473] : memref<2x!tpu.dma_semaphore, #tpu.memory_space<semaphore_mem>> -> memref<1x!tpu.dma_semaphore, #tpu.memory_space<semaphore_mem>>
        %dma_wait3A_484 = tpu.memref_squeeze %dma_wait3A_483 : memref<1x!tpu.dma_semaphore, #tpu.memory_space<semaphore_mem>> -> memref<!tpu.dma_semaphore, #tpu.memory_space<semaphore_mem>>
        %dma_wait3A_485 = arith.constant 0 : i32
        %dma_wait3A_486 = arith.constant 0 : i32
        %dma_wait3A_487 = arith.constant 0 : i32
        %dma_wait3A_488 = tpu.memref_slice %arg4[%dma_wait3A_471, %dma_wait3A_485, %dma_wait3A_472, %dma_wait3A_486, %dma_wait3A_487] : memref<50x8x128x8x128xf32, #tpu.memory_space<hbm>> -> memref<1x8x1x8x128xf32, #tpu.memory_space<hbm>>
        %dma_wait3A_489 = tpu.memref_squeeze %dma_wait3A_488 : memref<1x8x1x8x128xf32, #tpu.memory_space<hbm>> -> memref<8x8x128xf32, #tpu.memory_space<hbm>>
        %dma_wait3A_490 = arith.constant 0 : i32
        %dma_wait3A_491 = arith.constant 0 : i32
        %dma_wait3A_492 = arith.constant 0 : i32
        %dma_wait3A_493 = tpu.memref_slice %arg9[%dma_wait3A_490, %dma_wait3A_491, %dma_wait3A_492] : memref<8x8x129xf32, #tpu.memory_space<vmem>> -> memref<8x8x128xf32, #tpu.memory_space<vmem>>
        tpu.wait_dma2 semaphore(%dma_wait3A_484 : memref<!tpu.dma_semaphore, #tpu.memory_space<semaphore_mem>>) src(%dma_wait3A_493 : memref<8x8x128xf32, #tpu.memory_space<vmem>>) dst(%dma_wait3A_489 : memref<8x8x128xf32, #tpu.memory_space<hbm>>)
      } else {
      }
      %scan3A_404 = arith.constant 0 : i32
      %scan3A_405 = arith.constant 128 : i32
      %scan3A_406 = arith.addi %scan3A_404, %scan3A_405 : i32
      %scan3A_407 = arith.constant 8 : i32
      scf.for %scan3A_471 = %scan3A_404 to %scan3A_406 step %scan3A_407  : i32 {
        %mul3A_472 = arith.constant 1 : i32
        %mul3A_473 = arith.muli %scan3A_471, %mul3A_472 : i32
        %add3A_474 = arith.constant 0 : i32
        %add3A_475 = arith.addi %add3A_474, %mul3A_473 : i32
        %broadcast_in_dim3A = vector.broadcast %add3A_475 : i32 to vector<16xi32>
        %get3A = arith.index_cast %add3A_475 : i32 to index
        %get3A_476 = arith.constant 0 : index
        %get3A_477 = tpu.vector_load %arg7[%get3A, %get3A_476] {strides = array<i32>} : memref<128x64xf32, #tpu.memory_space<vmem>>, vector<16xf32>,
        %get3A_478 = arith.index_cast %add3A_475 : i32 to index
        %get3A_479 = arith.constant 16 : index
        %get3A_480 = tpu.vector_load %arg7[%get3A_478, %get3A_479] {strides = array<i32>} : memref<128x64xf32, #tpu.memory_space<vmem>>, vector<16xf32>,
        %get3A_481 = arith.index_cast %add3A_475 : i32 to index
        %get3A_482 = arith.constant 32 : index
        %get3A_483 = tpu.vector_load %arg7[%get3A_481, %get3A_482] {strides = array<i32>} : memref<128x64xf32, #tpu.memory_space<vmem>>, vector<16xf32>,
        %get3A_484 = arith.index_cast %add3A_475 : i32 to index
        %get3A_485 = arith.constant 48 : index
        %get3A_486 = tpu.vector_load %arg7[%get3A_484, %get3A_485] {strides = array<i32>} : memref<128x64xf32, #tpu.memory_space<vmem>>, vector<16xf32>,
        tpu.vector_store_idx %arg9[%select_n3A, %select_n3A_155, %broadcast_in_dim3A], %get3A_477 : memref<8x8x129xf32, #tpu.memory_space<vmem>>[vector<16xi32>, vector<16xi32>, vector<16xi32>], vector<16xf32>,
        tpu.vector_store_idx %arg9[%select_n3A_64, %select_n3A_180, %broadcast_in_dim3A], %get3A_480 : memref<8x8x129xf32, #tpu.memory_space<vmem>>[vector<16xi32>, vector<16xi32>, vector<16xi32>], vector<16xf32>,
        tpu.vector_store_idx %arg9[%select_n3A_98, %select_n3A_205, %broadcast_in_dim3A], %get3A_483 : memref<8x8x129xf32, #tpu.memory_space<vmem>>[vector<16xi32>, vector<16xi32>, vector<16xi32>], vector<16xf32>,
        tpu.vector_store_idx %arg9[%select_n3A_132, %select_n3A_230, %broadcast_in_dim3A], %get3A_486 : memref<8x8x129xf32, #tpu.memory_space<vmem>>[vector<16xi32>, vector<16xi32>, vector<16xi32>], vector<16xf32>,
        %scan3A_487 = arith.constant 1 : i32
        %scan3A_488 = arith.addi %scan3A_471, %scan3A_487 : i32
        %mul3A_489 = arith.constant 1 : i32
        %mul3A_490 = arith.muli %scan3A_488, %mul3A_489 : i32
        %add3A_491 = arith.constant 0 : i32
        %add3A_492 = arith.addi %add3A_491, %mul3A_490 : i32
        %broadcast_in_dim3A_493 = vector.broadcast %add3A_492 : i32 to vector<16xi32>
        %get3A_494 = arith.index_cast %add3A_492 : i32 to index
        %get3A_495 = arith.constant 0 : index
        %get3A_496 = tpu.vector_load %arg7[%get3A_494, %get3A_495] {strides = array<i32>} : memref<128x64xf32, #tpu.memory_space<vmem>>, vector<16xf32>,
        %get3A_497 = arith.index_cast %add3A_492 : i32 to index
        %get3A_498 = arith.constant 16 : index
        %get3A_499 = tpu.vector_load %arg7[%get3A_497, %get3A_498] {strides = array<i32>} : memref<128x64xf32, #tpu.memory_space<vmem>>, vector<16xf32>,
        %get3A_500 = arith.index_cast %add3A_492 : i32 to index
        %get3A_501 = arith.constant 32 : index
        %get3A_502 = tpu.vector_load %arg7[%get3A_500, %get3A_501] {strides = array<i32>} : memref<128x64xf32, #tpu.memory_space<vmem>>, vector<16xf32>,
        %get3A_503 = arith.index_cast %add3A_492 : i32 to index
        %get3A_504 = arith.constant 48 : index
        %get3A_505 = tpu.vector_load %arg7[%get3A_503, %get3A_504] {strides = array<i32>} : memref<128x64xf32, #tpu.memory_space<vmem>>, vector<16xf32>,
        tpu.vector_store_idx %arg9[%select_n3A, %select_n3A_155, %broadcast_in_dim3A_493], %get3A_496 : memref<8x8x129xf32, #tpu.memory_space<vmem>>[vector<16xi32>, vector<16xi32>, vector<16xi32>], vector<16xf32>,
        tpu.vector_store_idx %arg9[%select_n3A_64, %select_n3A_180, %broadcast_in_dim3A_493], %get3A_499 : memref<8x8x129xf32, #tpu.memory_space<vmem>>[vector<16xi32>, vector<16xi32>, vector<16xi32>], vector<16xf32>,
        tpu.vector_store_idx %arg9[%select_n3A_98, %select_n3A_205, %broadcast_in_dim3A_493], %get3A_502 : memref<8x8x129xf32, #tpu.memory_space<vmem>>[vector<16xi32>, vector<16xi32>, vector<16xi32>], vector<16xf32>,
        tpu.vector_store_idx %arg9[%select_n3A_132, %select_n3A_230, %broadcast_in_dim3A_493], %get3A_505 : memref<8x8x129xf32, #tpu.memory_space<vmem>>[vector<16xi32>, vector<16xi32>, vector<16xi32>], vector<16xf32>,
        %scan3A_506 = arith.constant 2 : i32
        %scan3A_507 = arith.addi %scan3A_471, %scan3A_506 : i32
        %mul3A_508 = arith.constant 1 : i32
        %mul3A_509 = arith.muli %scan3A_507, %mul3A_508 : i32
        %add3A_510 = arith.constant 0 : i32
        %add3A_511 = arith.addi %add3A_510, %mul3A_509 : i32
        %broadcast_in_dim3A_512 = vector.broadcast %add3A_511 : i32 to vector<16xi32>
        %get3A_513 = arith.index_cast %add3A_511 : i32 to index
        %get3A_514 = arith.constant 0 : index
        %get3A_515 = tpu.vector_load %arg7[%get3A_513, %get3A_514] {strides = array<i32>} : memref<128x64xf32, #tpu.memory_space<vmem>>, vector<16xf32>,
        %get3A_516 = arith.index_cast %add3A_511 : i32 to index
        %get3A_517 = arith.constant 16 : index
        %get3A_518 = tpu.vector_load %arg7[%get3A_516, %get3A_517] {strides = array<i32>} : memref<128x64xf32, #tpu.memory_space<vmem>>, vector<16xf32>,
        %get3A_519 = arith.index_cast %add3A_511 : i32 to index
        %get3A_520 = arith.constant 32 : index
        %get3A_521 = tpu.vector_load %arg7[%get3A_519, %get3A_520] {strides = array<i32>} : memref<128x64xf32, #tpu.memory_space<vmem>>, vector<16xf32>,
        %get3A_522 = arith.index_cast %add3A_511 : i32 to index
        %get3A_523 = arith.constant 48 : index
        %get3A_524 = tpu.vector_load %arg7[%get3A_522, %get3A_523] {strides = array<i32>} : memref<128x64xf32, #tpu.memory_space<vmem>>, vector<16xf32>,
        tpu.vector_store_idx %arg9[%select_n3A, %select_n3A_155, %broadcast_in_dim3A_512], %get3A_515 : memref<8x8x129xf32, #tpu.memory_space<vmem>>[vector<16xi32>, vector<16xi32>, vector<16xi32>], vector<16xf32>,
        tpu.vector_store_idx %arg9[%select_n3A_64, %select_n3A_180, %broadcast_in_dim3A_512], %get3A_518 : memref<8x8x129xf32, #tpu.memory_space<vmem>>[vector<16xi32>, vector<16xi32>, vector<16xi32>], vector<16xf32>,
        tpu.vector_store_idx %arg9[%select_n3A_98, %select_n3A_205, %broadcast_in_dim3A_512], %get3A_521 : memref<8x8x129xf32, #tpu.memory_space<vmem>>[vector<16xi32>, vector<16xi32>, vector<16xi32>], vector<16xf32>,
        tpu.vector_store_idx %arg9[%select_n3A_132, %select_n3A_230, %broadcast_in_dim3A_512], %get3A_524 : memref<8x8x129xf32, #tpu.memory_space<vmem>>[vector<16xi32>, vector<16xi32>, vector<16xi32>], vector<16xf32>,
        %scan3A_525 = arith.constant 3 : i32
        %scan3A_526 = arith.addi %scan3A_471, %scan3A_525 : i32
        %mul3A_527 = arith.constant 1 : i32
        %mul3A_528 = arith.muli %scan3A_526, %mul3A_527 : i32
        %add3A_529 = arith.constant 0 : i32
        %add3A_530 = arith.addi %add3A_529, %mul3A_528 : i32
        %broadcast_in_dim3A_531 = vector.broadcast %add3A_530 : i32 to vector<16xi32>
        %get3A_532 = arith.index_cast %add3A_530 : i32 to index
        %get3A_533 = arith.constant 0 : index
        %get3A_534 = tpu.vector_load %arg7[%get3A_532, %get3A_533] {strides = array<i32>} : memref<128x64xf32, #tpu.memory_space<vmem>>, vector<16xf32>,
        %get3A_535 = arith.index_cast %add3A_530 : i32 to index
        %get3A_536 = arith.constant 16 : index
        %get3A_537 = tpu.vector_load %arg7[%get3A_535, %get3A_536] {strides = array<i32>} : memref<128x64xf32, #tpu.memory_space<vmem>>, vector<16xf32>,
        %get3A_538 = arith.index_cast %add3A_530 : i32 to index
        %get3A_539 = arith.constant 32 : index
        %get3A_540 = tpu.vector_load %arg7[%get3A_538, %get3A_539] {strides = array<i32>} : memref<128x64xf32, #tpu.memory_space<vmem>>, vector<16xf32>,
        %get3A_541 = arith.index_cast %add3A_530 : i32 to index
        %get3A_542 = arith.constant 48 : index
        %get3A_543 = tpu.vector_load %arg7[%get3A_541, %get3A_542] {strides = array<i32>} : memref<128x64xf32, #tpu.memory_space<vmem>>, vector<16xf32>,
        tpu.vector_store_idx %arg9[%select_n3A, %select_n3A_155, %broadcast_in_dim3A_531], %get3A_534 : memref<8x8x129xf32, #tpu.memory_space<vmem>>[vector<16xi32>, vector<16xi32>, vector<16xi32>], vector<16xf32>,
        tpu.vector_store_idx %arg9[%select_n3A_64, %select_n3A_180, %broadcast_in_dim3A_531], %get3A_537 : memref<8x8x129xf32, #tpu.memory_space<vmem>>[vector<16xi32>, vector<16xi32>, vector<16xi32>], vector<16xf32>,
        tpu.vector_store_idx %arg9[%select_n3A_98, %select_n3A_205, %broadcast_in_dim3A_531], %get3A_540 : memref<8x8x129xf32, #tpu.memory_space<vmem>>[vector<16xi32>, vector<16xi32>, vector<16xi32>], vector<16xf32>,
        tpu.vector_store_idx %arg9[%select_n3A_132, %select_n3A_230, %broadcast_in_dim3A_531], %get3A_543 : memref<8x8x129xf32, #tpu.memory_space<vmem>>[vector<16xi32>, vector<16xi32>, vector<16xi32>], vector<16xf32>,
        %scan3A_544 = arith.constant 4 : i32
        %scan3A_545 = arith.addi %scan3A_471, %scan3A_544 : i32
        %mul3A_546 = arith.constant 1 : i32
        %mul3A_547 = arith.muli %scan3A_545, %mul3A_546 : i32
        %add3A_548 = arith.constant 0 : i32
        %add3A_549 = arith.addi %add3A_548, %mul3A_547 : i32
        %broadcast_in_dim3A_550 = vector.broadcast %add3A_549 : i32 to vector<16xi32>
        %get3A_551 = arith.index_cast %add3A_549 : i32 to index
        %get3A_552 = arith.constant 0 : index
        %get3A_553 = tpu.vector_load %arg7[%get3A_551, %get3A_552] {strides = array<i32>} : memref<128x64xf32, #tpu.memory_space<vmem>>, vector<16xf32>,
        %get3A_554 = arith.index_cast %add3A_549 : i32 to index
        %get3A_555 = arith.constant 16 : index
        %get3A_556 = tpu.vector_load %arg7[%get3A_554, %get3A_555] {strides = array<i32>} : memref<128x64xf32, #tpu.memory_space<vmem>>, vector<16xf32>,
        %get3A_557 = arith.index_cast %add3A_549 : i32 to index
        %get3A_558 = arith.constant 32 : index
        %get3A_559 = tpu.vector_load %arg7[%get3A_557, %get3A_558] {strides = array<i32>} : memref<128x64xf32, #tpu.memory_space<vmem>>, vector<16xf32>,
        %get3A_560 = arith.index_cast %add3A_549 : i32 to index
        %get3A_561 = arith.constant 48 : index
        %get3A_562 = tpu.vector_load %arg7[%get3A_560, %get3A_561] {strides = array<i32>} : memref<128x64xf32, #tpu.memory_space<vmem>>, vector<16xf32>,
        tpu.vector_store_idx %arg9[%select_n3A, %select_n3A_155, %broadcast_in_dim3A_550], %get3A_553 : memref<8x8x129xf32, #tpu.memory_space<vmem>>[vector<16xi32>, vector<16xi32>, vector<16xi32>], vector<16xf32>,
        tpu.vector_store_idx %arg9[%select_n3A_64, %select_n3A_180, %broadcast_in_dim3A_550], %get3A_556 : memref<8x8x129xf32, #tpu.memory_space<vmem>>[vector<16xi32>, vector<16xi32>, vector<16xi32>], vector<16xf32>,
        tpu.vector_store_idx %arg9[%select_n3A_98, %select_n3A_205, %broadcast_in_dim3A_550], %get3A_559 : memref<8x8x129xf32, #tpu.memory_space<vmem>>[vector<16xi32>, vector<16xi32>, vector<16xi32>], vector<16xf32>,
        tpu.vector_store_idx %arg9[%select_n3A_132, %select_n3A_230, %broadcast_in_dim3A_550], %get3A_562 : memref<8x8x129xf32, #tpu.memory_space<vmem>>[vector<16xi32>, vector<16xi32>, vector<16xi32>], vector<16xf32>,
        %scan3A_563 = arith.constant 5 : i32
        %scan3A_564 = arith.addi %scan3A_471, %scan3A_563 : i32
        %mul3A_565 = arith.constant 1 : i32
        %mul3A_566 = arith.muli %scan3A_564, %mul3A_565 : i32
        %add3A_567 = arith.constant 0 : i32
        %add3A_568 = arith.addi %add3A_567, %mul3A_566 : i32
        %broadcast_in_dim3A_569 = vector.broadcast %add3A_568 : i32 to vector<16xi32>
        %get3A_570 = arith.index_cast %add3A_568 : i32 to index
        %get3A_571 = arith.constant 0 : index
        %get3A_572 = tpu.vector_load %arg7[%get3A_570, %get3A_571] {strides = array<i32>} : memref<128x64xf32, #tpu.memory_space<vmem>>, vector<16xf32>,
        %get3A_573 = arith.index_cast %add3A_568 : i32 to index
        %get3A_574 = arith.constant 16 : index
        %get3A_575 = tpu.vector_load %arg7[%get3A_573, %get3A_574] {strides = array<i32>} : memref<128x64xf32, #tpu.memory_space<vmem>>, vector<16xf32>,
        %get3A_576 = arith.index_cast %add3A_568 : i32 to index
        %get3A_577 = arith.constant 32 : index
        %get3A_578 = tpu.vector_load %arg7[%get3A_576, %get3A_577] {strides = array<i32>} : memref<128x64xf32, #tpu.memory_space<vmem>>, vector<16xf32>,
        %get3A_579 = arith.index_cast %add3A_568 : i32 to index
        %get3A_580 = arith.constant 48 : index
        %get3A_581 = tpu.vector_load %arg7[%get3A_579, %get3A_580] {strides = array<i32>} : memref<128x64xf32, #tpu.memory_space<vmem>>, vector<16xf32>,
        tpu.vector_store_idx %arg9[%select_n3A, %select_n3A_155, %broadcast_in_dim3A_569], %get3A_572 : memref<8x8x129xf32, #tpu.memory_space<vmem>>[vector<16xi32>, vector<16xi32>, vector<16xi32>], vector<16xf32>,
        tpu.vector_store_idx %arg9[%select_n3A_64, %select_n3A_180, %broadcast_in_dim3A_569], %get3A_575 : memref<8x8x129xf32, #tpu.memory_space<vmem>>[vector<16xi32>, vector<16xi32>, vector<16xi32>], vector<16xf32>,
        tpu.vector_store_idx %arg9[%select_n3A_98, %select_n3A_205, %broadcast_in_dim3A_569], %get3A_578 : memref<8x8x129xf32, #tpu.memory_space<vmem>>[vector<16xi32>, vector<16xi32>, vector<16xi32>], vector<16xf32>,
        tpu.vector_store_idx %arg9[%select_n3A_132, %select_n3A_230, %broadcast_in_dim3A_569], %get3A_581 : memref<8x8x129xf32, #tpu.memory_space<vmem>>[vector<16xi32>, vector<16xi32>, vector<16xi32>], vector<16xf32>,
        %scan3A_582 = arith.constant 6 : i32
        %scan3A_583 = arith.addi %scan3A_471, %scan3A_582 : i32
        %mul3A_584 = arith.constant 1 : i32
        %mul3A_585 = arith.muli %scan3A_583, %mul3A_584 : i32
        %add3A_586 = arith.constant 0 : i32
        %add3A_587 = arith.addi %add3A_586, %mul3A_585 : i32
        %broadcast_in_dim3A_588 = vector.broadcast %add3A_587 : i32 to vector<16xi32>
        %get3A_589 = arith.index_cast %add3A_587 : i32 to index
        %get3A_590 = arith.constant 0 : index
        %get3A_591 = tpu.vector_load %arg7[%get3A_589, %get3A_590] {strides = array<i32>} : memref<128x64xf32, #tpu.memory_space<vmem>>, vector<16xf32>,
        %get3A_592 = arith.index_cast %add3A_587 : i32 to index
        %get3A_593 = arith.constant 16 : index
        %get3A_594 = tpu.vector_load %arg7[%get3A_592, %get3A_593] {strides = array<i32>} : memref<128x64xf32, #tpu.memory_space<vmem>>, vector<16xf32>,
        %get3A_595 = arith.index_cast %add3A_587 : i32 to index
        %get3A_596 = arith.constant 32 : index
        %get3A_597 = tpu.vector_load %arg7[%get3A_595, %get3A_596] {strides = array<i32>} : memref<128x64xf32, #tpu.memory_space<vmem>>, vector<16xf32>,
        %get3A_598 = arith.index_cast %add3A_587 : i32 to index
        %get3A_599 = arith.constant 48 : index
        %get3A_600 = tpu.vector_load %arg7[%get3A_598, %get3A_599] {strides = array<i32>} : memref<128x64xf32, #tpu.memory_space<vmem>>, vector<16xf32>,
        tpu.vector_store_idx %arg9[%select_n3A, %select_n3A_155, %broadcast_in_dim3A_588], %get3A_591 : memref<8x8x129xf32, #tpu.memory_space<vmem>>[vector<16xi32>, vector<16xi32>, vector<16xi32>], vector<16xf32>,
        tpu.vector_store_idx %arg9[%select_n3A_64, %select_n3A_180, %broadcast_in_dim3A_588], %get3A_594 : memref<8x8x129xf32, #tpu.memory_space<vmem>>[vector<16xi32>, vector<16xi32>, vector<16xi32>], vector<16xf32>,
        tpu.vector_store_idx %arg9[%select_n3A_98, %select_n3A_205, %broadcast_in_dim3A_588], %get3A_597 : memref<8x8x129xf32, #tpu.memory_space<vmem>>[vector<16xi32>, vector<16xi32>, vector<16xi32>], vector<16xf32>,
        tpu.vector_store_idx %arg9[%select_n3A_132, %select_n3A_230, %broadcast_in_dim3A_588], %get3A_600 : memref<8x8x129xf32, #tpu.memory_space<vmem>>[vector<16xi32>, vector<16xi32>, vector<16xi32>], vector<16xf32>,
        %scan3A_601 = arith.constant 7 : i32
        %scan3A_602 = arith.addi %scan3A_471, %scan3A_601 : i32
        %mul3A_603 = arith.constant 1 : i32
        %mul3A_604 = arith.muli %scan3A_602, %mul3A_603 : i32
        %add3A_605 = arith.constant 0 : i32
        %add3A_606 = arith.addi %add3A_605, %mul3A_604 : i32
        %broadcast_in_dim3A_607 = vector.broadcast %add3A_606 : i32 to vector<16xi32>
        %get3A_608 = arith.index_cast %add3A_606 : i32 to index
        %get3A_609 = arith.constant 0 : index
        %get3A_610 = tpu.vector_load %arg7[%get3A_608, %get3A_609] {strides = array<i32>} : memref<128x64xf32, #tpu.memory_space<vmem>>, vector<16xf32>,
        %get3A_611 = arith.index_cast %add3A_606 : i32 to index
        %get3A_612 = arith.constant 16 : index
        %get3A_613 = tpu.vector_load %arg7[%get3A_611, %get3A_612] {strides = array<i32>} : memref<128x64xf32, #tpu.memory_space<vmem>>, vector<16xf32>,
        %get3A_614 = arith.index_cast %add3A_606 : i32 to index
        %get3A_615 = arith.constant 32 : index
        %get3A_616 = tpu.vector_load %arg7[%get3A_614, %get3A_615] {strides = array<i32>} : memref<128x64xf32, #tpu.memory_space<vmem>>, vector<16xf32>,
        %get3A_617 = arith.index_cast %add3A_606 : i32 to index
        %get3A_618 = arith.constant 48 : index
        %get3A_619 = tpu.vector_load %arg7[%get3A_617, %get3A_618] {strides = array<i32>} : memref<128x64xf32, #tpu.memory_space<vmem>>, vector<16xf32>,
        tpu.vector_store_idx %arg9[%select_n3A, %select_n3A_155, %broadcast_in_dim3A_607], %get3A_610 : memref<8x8x129xf32, #tpu.memory_space<vmem>>[vector<16xi32>, vector<16xi32>, vector<16xi32>], vector<16xf32>,
        tpu.vector_store_idx %arg9[%select_n3A_64, %select_n3A_180, %broadcast_in_dim3A_607], %get3A_613 : memref<8x8x129xf32, #tpu.memory_space<vmem>>[vector<16xi32>, vector<16xi32>, vector<16xi32>], vector<16xf32>,
        tpu.vector_store_idx %arg9[%select_n3A_98, %select_n3A_205, %broadcast_in_dim3A_607], %get3A_616 : memref<8x8x129xf32, #tpu.memory_space<vmem>>[vector<16xi32>, vector<16xi32>, vector<16xi32>], vector<16xf32>,
        tpu.vector_store_idx %arg9[%select_n3A_132, %select_n3A_230, %broadcast_in_dim3A_607], %get3A_619 : memref<8x8x129xf32, #tpu.memory_space<vmem>>[vector<16xi32>, vector<16xi32>, vector<16xi32>], vector<16xf32>,
      }
      %scan3A_408 = arith.constant 128 : i32
      %jit3A_409 = arith.constant 4 : i32
      %div3A_410 = arith.divsi %add3A_382, %jit3A_409 : i32
      %sign3A_411 = arith.constant 0 : i32
      %sign3A_412 = arith.cmpi sgt, %add3A_382, %sign3A_411 : i32
      %sign3A_413 = arith.extui %sign3A_412 : i1 to i32
      %sign3A_414 = arith.constant 0 : i32
      %sign3A_415 = arith.cmpi slt, %add3A_382, %sign3A_414 : i32
      %sign3A_416 = arith.extui %sign3A_415 : i1 to i32
      %sign3A_417 = arith.subi %sign3A_413, %sign3A_416 : i32
      %sign3A_418 = arith.constant 0 : i32
      %sign3A_419 = arith.cmpi sgt, %jit3A_409, %sign3A_418 : i32
      %sign3A_420 = arith.extui %sign3A_419 : i1 to i32
      %sign3A_421 = arith.constant 0 : i32
      %sign3A_422 = arith.cmpi slt, %jit3A_409, %sign3A_421 : i32
      %sign3A_423 = arith.extui %sign3A_422 : i1 to i32
      %sign3A_424 = arith.subi %sign3A_420, %sign3A_423 : i32
      %ne3A_425 = arith.cmpi ne, %sign3A_417, %sign3A_424 : i32
      %rem3A_426 = arith.remsi %add3A_382, %jit3A_409 : i32
      %ne3A_427 = arith.constant 0 : i32
      %ne3A_428 = arith.cmpi ne, %rem3A_426, %ne3A_427 : i32
      %and3A_429 = arith.andi %ne3A_425, %ne3A_428 : i1
      %sub3A_430 = arith.constant 1 : i32
      %sub3A_431 = arith.subi %div3A_410, %sub3A_430 : i32
      %select_n3A_432 = arith.select %and3A_429, %sub3A_431, %div3A_410 : i32
      %jit3A_433 = arith.constant 4 : i32
      %eq3A_434 = arith.constant 0 : i32
      %eq3A_435 = arith.cmpi eq, %jit3A_433, %eq3A_434 : i32
      %jit3A_436 = arith.constant 1 : i32
      %select_n3A_437 = arith.select %eq3A_435, %jit3A_436, %jit3A_433 : i32
      %rem3A_438 = arith.remsi %add3A_382, %select_n3A_437 : i32
      %ne3A_439 = arith.constant 0 : i32
      %ne3A_440 = arith.cmpi ne, %rem3A_438, %ne3A_439 : i32
      %lt3A_441 = arith.constant 0 : i32
      %lt3A_442 = arith.cmpi slt, %rem3A_438, %lt3A_441 : i32
      %lt3A_443 = arith.constant 0 : i32
      %lt3A_444 = arith.cmpi slt, %select_n3A_437, %lt3A_443 : i32
      %ne3A_445 = arith.xori %lt3A_442, %lt3A_444 : i1
      %and3A_446 = arith.andi %ne3A_445, %ne3A_440 : i1
      %add3A_447 = arith.addi %rem3A_438, %select_n3A_437 : i32
      %select_n3A_448 = arith.select %and3A_446, %add3A_447, %rem3A_438 : i32
      %add3A_449 = arith.addi %mul3A_4, %select_n3A_448 : i32
      %dma_start3A_450 = arith.constant 1 : i32
      %dma_start3A_451 = arith.constant 0 : i32
      %dma_start3A_452 = arith.constant 0 : i32
      %dma_start3A_453 = arith.constant 0 : i32
      %dma_start3A_454 = tpu.memref_slice %arg9[%dma_start3A_451, %dma_start3A_452, %dma_start3A_453] : memref<8x8x129xf32, #tpu.memory_space<vmem>> -> memref<8x8x128xf32, #tpu.memory_space<vmem>>
      %dma_start3A_455 = arith.constant 0 : i32
      %dma_start3A_456 = arith.constant 0 : i32
      %dma_start3A_457 = arith.constant 0 : i32
      %dma_start3A_458 = tpu.memref_slice %arg4[%select_n3A_432, %dma_start3A_455, %add3A_449, %dma_start3A_456, %dma_start3A_457] : memref<50x8x128x8x128xf32, #tpu.memory_space<hbm>> -> memref<1x8x1x8x128xf32, #tpu.memory_space<hbm>>
      %dma_start3A_459 = tpu.memref_squeeze %dma_start3A_458 : memref<1x8x1x8x128xf32, #tpu.memory_space<hbm>> -> memref<8x8x128xf32, #tpu.memory_space<hbm>>
      %dma_start3A_460 = tpu.memref_slice %arg11[%dma_start3A_450] : memref<2x!tpu.dma_semaphore, #tpu.memory_space<semaphore_mem>> -> memref<1x!tpu.dma_semaphore, #tpu.memory_space<semaphore_mem>>
      %dma_start3A_461 = tpu.memref_squeeze %dma_start3A_460 : memref<1x!tpu.dma_semaphore, #tpu.memory_space<semaphore_mem>> -> memref<!tpu.dma_semaphore, #tpu.memory_space<semaphore_mem>>
      %dma_start3A_462 = arith.constant 0 : i32
      %dma_start3A_463 = arith.constant 0 : i32
      %dma_start3A_464 = arith.constant 0 : i32
      %dma_start3A_465 = tpu.memref_slice %arg4[%select_n3A_432, %dma_start3A_462, %add3A_449, %dma_start3A_463, %dma_start3A_464] : memref<50x8x128x8x128xf32, #tpu.memory_space<hbm>> -> memref<1x8x1x8x128xf32, #tpu.memory_space<hbm>>
      %dma_start3A_466 = tpu.memref_squeeze %dma_start3A_465 : memref<1x8x1x8x128xf32, #tpu.memory_space<hbm>> -> memref<8x8x128xf32, #tpu.memory_space<hbm>>
      %dma_start3A_467 = arith.constant 0 : i32
      %dma_start3A_468 = arith.constant 0 : i32
      %dma_start3A_469 = arith.constant 0 : i32
      %dma_start3A_470 = tpu.memref_slice %arg9[%dma_start3A_467, %dma_start3A_468, %dma_start3A_469] : memref<8x8x129xf32, #tpu.memory_space<vmem>> -> memref<8x8x128xf32, #tpu.memory_space<vmem>>
      tpu.enqueue_dma source(%dma_start3A_470 : memref<8x8x128xf32, #tpu.memory_space<vmem>>) target(%dma_start3A_466 : memref<8x8x128xf32, #tpu.memory_space<hbm>>) target_semaphore(%dma_start3A_461 : memref<!tpu.dma_semaphore, #tpu.memory_space<semaphore_mem>>)
    }
    %scan3A_243 = arith.constant 100 : i32
    %dma_wait3A = arith.constant 0 : i32
    %dma_wait3A_244 = arith.constant 0 : i32
    %dma_wait3A_245 = arith.constant 0 : i32
    %dma_wait3A_246 = arith.constant 0 : i32
    %dma_wait3A_247 = arith.constant 0 : i32
    %dma_wait3A_248 = arith.constant 0 : i32
    %dma_wait3A_249 = tpu.memref_slice %arg8[%dma_wait3A_246, %dma_wait3A_247, %dma_wait3A_248] : memref<8x8x129xf32, #tpu.memory_space<vmem>> -> memref<8x8x128xf32, #tpu.memory_space<vmem>>
    %dma_wait3A_250 = arith.constant 0 : i32
    %dma_wait3A_251 = arith.constant 0 : i32
    %dma_wait3A_252 = arith.constant 0 : i32
    %dma_wait3A_253 = tpu.memref_slice %arg4[%dma_wait3A, %dma_wait3A_250, %dma_wait3A_244, %dma_wait3A_251, %dma_wait3A_252] : memref<50x8x128x8x128xf32, #tpu.memory_space<hbm>> -> memref<1x8x1x8x128xf32, #tpu.memory_space<hbm>>
    %dma_wait3A_254 = tpu.memref_squeeze %dma_wait3A_253 : memref<1x8x1x8x128xf32, #tpu.memory_space<hbm>> -> memref<8x8x128xf32, #tpu.memory_space<hbm>>
    %dma_wait3A_255 = tpu.memref_slice %arg11[%dma_wait3A_245] : memref<2x!tpu.dma_semaphore, #tpu.memory_space<semaphore_mem>> -> memref<1x!tpu.dma_semaphore, #tpu.memory_space<semaphore_mem>>
    %dma_wait3A_256 = tpu.memref_squeeze %dma_wait3A_255 : memref<1x!tpu.dma_semaphore, #tpu.memory_space<semaphore_mem>> -> memref<!tpu.dma_semaphore, #tpu.memory_space<semaphore_mem>>
    %dma_wait3A_257 = arith.constant 0 : i32
    %dma_wait3A_258 = arith.constant 0 : i32
    %dma_wait3A_259 = arith.constant 0 : i32
    %dma_wait3A_260 = tpu.memref_slice %arg4[%dma_wait3A, %dma_wait3A_257, %dma_wait3A_244, %dma_wait3A_258, %dma_wait3A_259] : memref<50x8x128x8x128xf32, #tpu.memory_space<hbm>> -> memref<1x8x1x8x128xf32, #tpu.memory_space<hbm>>
    %dma_wait3A_261 = tpu.memref_squeeze %dma_wait3A_260 : memref<1x8x1x8x128xf32, #tpu.memory_space<hbm>> -> memref<8x8x128xf32, #tpu.memory_space<hbm>>
    %dma_wait3A_262 = arith.constant 0 : i32
    %dma_wait3A_263 = arith.constant 0 : i32
    %dma_wait3A_264 = arith.constant 0 : i32
    %dma_wait3A_265 = tpu.memref_slice %arg8[%dma_wait3A_262, %dma_wait3A_263, %dma_wait3A_264] : memref<8x8x129xf32, #tpu.memory_space<vmem>> -> memref<8x8x128xf32, #tpu.memory_space<vmem>>
    tpu.wait_dma2 semaphore(%dma_wait3A_256 : memref<!tpu.dma_semaphore, #tpu.memory_space<semaphore_mem>>) src(%dma_wait3A_265 : memref<8x8x128xf32, #tpu.memory_space<vmem>>) dst(%dma_wait3A_261 : memref<8x8x128xf32, #tpu.memory_space<hbm>>)
    %dma_wait3A_266 = arith.constant 0 : i32
    %dma_wait3A_267 = arith.constant 0 : i32
    %dma_wait3A_268 = arith.constant 1 : i32
    %dma_wait3A_269 = arith.constant 0 : i32
    %dma_wait3A_270 = arith.constant 0 : i32
    %dma_wait3A_271 = arith.constant 0 : i32
    %dma_wait3A_272 = tpu.memref_slice %arg9[%dma_wait3A_269, %dma_wait3A_270, %dma_wait3A_271] : memref<8x8x129xf32, #tpu.memory_space<vmem>> -> memref<8x8x128xf32, #tpu.memory_space<vmem>>
    %dma_wait3A_273 = arith.constant 0 : i32
    %dma_wait3A_274 = arith.constant 0 : i32
    %dma_wait3A_275 = arith.constant 0 : i32
    %dma_wait3A_276 = tpu.memref_slice %arg4[%dma_wait3A_266, %dma_wait3A_273, %dma_wait3A_267, %dma_wait3A_274, %dma_wait3A_275] : memref<50x8x128x8x128xf32, #tpu.memory_space<hbm>> -> memref<1x8x1x8x128xf32, #tpu.memory_space<hbm>>
    %dma_wait3A_277 = tpu.memref_squeeze %dma_wait3A_276 : memref<1x8x1x8x128xf32, #tpu.memory_space<hbm>> -> memref<8x8x128xf32, #tpu.memory_space<hbm>>
    %dma_wait3A_278 = tpu.memref_slice %arg11[%dma_wait3A_268] : memref<2x!tpu.dma_semaphore, #tpu.memory_space<semaphore_mem>> -> memref<1x!tpu.dma_semaphore, #tpu.memory_space<semaphore_mem>>
    %dma_wait3A_279 = tpu.memref_squeeze %dma_wait3A_278 : memref<1x!tpu.dma_semaphore, #tpu.memory_space<semaphore_mem>> -> memref<!tpu.dma_semaphore, #tpu.memory_space<semaphore_mem>>
    %dma_wait3A_280 = arith.constant 0 : i32
    %dma_wait3A_281 = arith.constant 0 : i32
    %dma_wait3A_282 = arith.constant 0 : i32
    %dma_wait3A_283 = tpu.memref_slice %arg4[%dma_wait3A_266, %dma_wait3A_280, %dma_wait3A_267, %dma_wait3A_281, %dma_wait3A_282] : memref<50x8x128x8x128xf32, #tpu.memory_space<hbm>> -> memref<1x8x1x8x128xf32, #tpu.memory_space<hbm>>
    %dma_wait3A_284 = tpu.memref_squeeze %dma_wait3A_283 : memref<1x8x1x8x128xf32, #tpu.memory_space<hbm>> -> memref<8x8x128xf32, #tpu.memory_space<hbm>>
    %dma_wait3A_285 = arith.constant 0 : i32
    %dma_wait3A_286 = arith.constant 0 : i32
    %dma_wait3A_287 = arith.constant 0 : i32
    %dma_wait3A_288 = tpu.memref_slice %arg9[%dma_wait3A_285, %dma_wait3A_286, %dma_wait3A_287] : memref<8x8x129xf32, #tpu.memory_space<vmem>> -> memref<8x8x128xf32, #tpu.memory_space<vmem>>
    tpu.wait_dma2 semaphore(%dma_wait3A_279 : memref<!tpu.dma_semaphore, #tpu.memory_space<semaphore_mem>>) src(%dma_wait3A_288 : memref<8x8x128xf32, #tpu.memory_space<vmem>>) dst(%dma_wait3A_284 : memref<8x8x128xf32, #tpu.memory_space<hbm>>)
    return
  }
}

</mosaic_0001>

<sc_bundles>
// kernel: _lookup.3.cloned.1.call-start
scs
__scs_entry_jumppad:
0x0: {  	(pc) =	sbr.rel $0x88, $3  }
0x1: {  	(tag) =	ssettag $0x0;
	lr =	simm.s32 $0x1  }
0x2: {  	[smem:$0x3F9F] =	sst lr;
	_ =	strace $0xD0000000  }
0x3: {  	_ = 	snop  }
0x4: {  	_ = 	snop  }
0x5: {  	_ = 	snop  }
0x6: {  	_ = 	snop  }
0x7: {  	_ = 	snop  }
__scs_overlays_trampoline_lowered:
0x8: {  	[smem:$0x3FAE] =	sst s0  }
0x9: {  	[smem:$0x3FAF] =	sst s1  }
0xa: {  	[smem:$0x3FB0] =	sst s2  }
0xb: {  	[smem:$0x3FB1] =	sst s3  }
0xc: {  	[smem:$0x3FB2] =	sst s4  }
0xd: {  	[smem:$0x3FB3] =	sst s5  }
0xe: {  	[smem:$0x3FB4] =	sst s6  }
0xf: {  	[smem:$0x3FB5] =	sst s7  }
0x10: {  	[smem:$0x3FB6] =	sst s8  }
0x11: {  	[smem:$0x3FB7] =	sst s9;
	s0 =	simm.s32 @!p0 $0x0  }
0x12: {  	s1 =	sld [smem:$0x3F9D];
	s0 =	simm.s32 @p0 $0x1  }
0x13: {  	[smem:$0x3FB8] =	sst s0;
	s0 =	simm.s32 @!p1 $0x0  }
0x14: {  	s2 =	sld [smem:$0x3F9C];
	s0 =	simm.s32 @p1 $0x1  }
0x15: {  	[smem:$0x3FB9] =	sst s0;
	s0 =	simm.s32 @!p2 $0x0  }
0x16: {  	s3 =	sld [smem:$0x3FDB];
	s0 =	simm.s32 @p2 $0x1  }
0x17: {  	s4 =	simm.s32 $0x1BF5;
	[smem:$0x3FBB] =	sst s0  }
0x18: {  	s0 =	sld [smem:$0x3F9E];
	_ =	swait.ge [sflag:s4], $0x0  }
0x19: {  	s7 =	sld [smem:$0x3F9F]  }
0x1a: {  	s8 =	sadd.s32 $0xFFFFE003, lr  }
0x1b: {  	s9 =	sadd.s32 $0xFFFFFEF7, lr;
	s5 =	simm.s32 $0xFFFFFFFF;
	p2 =	slt.u32 s8, $0xFFFFF086  }
0x1c: {  	p1 =	slt.u32 s9, $0xF7A;
	s5 =	simm.s32 @!p2 $0x0  }
0x1d: {  	s5 =	simm.s32 @p1 $0x1;
	p0 =	seq.s32 s7, s2  }
0x1e: {  	s7 =	smul.u32 @!p0 $0xF7A, s2;
	p2 =	seq.s32 @!p0 s5, $0x0  }
0x1f: {  	s9 =	smul.u32 $0xF7A, s1;
	s8 =	simm.s32 @!p0 $0x1BF5;
	p2 =	por !p2, p0  }
0x20: {  	[sflag:s8] =	ssyncset.s32 @!p0 $0xFFFFF086;
	s6 =	sadd.s32 @!p0 s3, s7;
	s7 =	simm.s32 @!p0 $0x108  }
0x21: {  	s3 =	sadd.s32 s3, s9;
	s6 =	sadd.s32 @!p0 $0x88, s6;
	s7 =	simm.s32 @p2 $0x1082  }
0x22: {  	[simem:s7], [sflag:s8] =	dma.local @!p0 [hbm:s6], $0xF7A  }
0x23: {  	s9 =	sor.u32 $0xD0000000, s2;
	s6 =	simm.s32 $0x108;
	_ =	swait.ge @!p0 [sflag:s8], $0x0  }
0x24: {  	s3 =	sadd.s32 $0x88, s3;
	s6 =	simm.s32 @!p1 $0x1082;
	[sflag:s4] =	ssyncset.s32 $0xFFFFF086  }
0x25: {  	[simem:s6], [sflag:s4] =	dma.local [hbm:s3], $0xF7A  }
0x26: {  	[smem:$0x3F9F] =	sst s1;
	(tag) =	ssettag s2;
	_ =	strace s9  }
0x27: {  	s1 =	sld [smem:$0x3FAF]  }
0x28: {  	s2 =	sld [smem:$0x3FB0]  }
0x29: {  	s4 =	sld [smem:$0x3FB2]  }
0x2a: {  	p0 =	seq.s32 s5, $0x0;
	s5 =	sld [smem:$0x3FB3]  }
0x2b: {  	s6 =	sld [smem:$0x3FB4]  }
0x2c: {  	s7 =	sld [smem:$0x3FB5]  }
0x2d: {  	s3 =	simm.s32 $0x108;
	s8 =	sld [smem:$0x3FB6]  }
0x2e: {  	s3 =	simm.s32 @!p0 $0x1082;
	s9 =	sld [smem:$0x3FB7]  }
0x2f: {  	lr =	sadd.s32 s0, s3;
	s0 =	sld [smem:$0x3FAE]  }
0x30: {  	s3 =	sld [smem:$0x3FB1]  }
0x31: {  	[smem:$0x3FBA] =	sst s10  }
0x32: {  	s10 =	sld [smem:$0x3FB8];
	_ =	sdelay $0x3  }
0x33: {  	p0 =	seq.s32 s10, $0x1;
	s10 =	sld [smem:$0x3FBA];
	_ =	sdelay $0x3  }
0x34: {  	[smem:$0x3FBA] =	sst s10  }
0x35: {  	s10 =	sld [smem:$0x3FB9];
	_ =	sdelay $0x3  }
0x36: {  	p1 =	seq.s32 s10, $0x1;
	s10 =	sld [smem:$0x3FBA];
	_ =	sdelay $0x3  }
0x37: {  	[smem:$0x3FBA] =	sst s10  }
0x38: {  	s10 =	sld [smem:$0x3FBB]  }
0x39: {  	_ = 	snop;
	(pc) =	sbr.ind lr, $3  }
0x3a: {  	_ = 	snop  }
0x3b: {  	_ = 	snop  }
0x3c: {  	p2 =	seq.s32 s10, $0x1;
	s10 =	sld [smem:$0x3FBA]  }
0x3d: {  	_ =	shalt  }
0x3e: {  	_ =	shalt  }
0x3f: {  	_ =	shalt  }
0x40: {  	_ =	shalt  }
0x41: {  	_ =	shalt  }
0x42: {  	_ =	shalt  }
0x43: {  	_ =	shalt  }
0x44: {  	_ =	shalt  }
0x45: {  	_ =	shalt  }
0x46: {  	_ =	shalt  }
0x47: {  	_ =	shalt  }
0x48: {  	_ =	shalt  }
0x49: {  	_ =	shalt  }
0x4a: {  	_ =	shalt  }
0x4b: {  	_ =	shalt  }
0x4c: {  	_ =	shalt  }
0x4d: {  	_ =	shalt  }
0x4e: {  	_ =	shalt  }
0x4f: {  	_ =	shalt  }
0x50: {  	_ =	shalt  }
0x51: {  	_ =	shalt  }
0x52: {  	_ =	shalt  }
0x53: {  	_ =	shalt  }
0x54: {  	_ =	shalt  }
0x55: {  	_ =	shalt  }
0x56: {  	_ =	shalt  }
0x57: {  	_ =	shalt  }
0x58: {  	_ =	shalt  }
0x59: {  	_ =	shalt  }
0x5a: {  	_ =	shalt  }
0x5b: {  	_ =	shalt  }
0x5c: {  	_ =	shalt  }
0x5d: {  	_ =	shalt  }
0x5e: {  	_ =	shalt  }
0x5f: {  	_ =	shalt  }
0x60: {  	_ =	shalt  }
0x61: {  	_ =	shalt  }
0x62: {  	_ =	shalt  }
0x63: {  	_ =	shalt  }
0x64: {  	_ =	shalt  }
0x65: {  	_ =	shalt  }
0x66: {  	_ =	shalt  }
0x67: {  	_ =	shalt  }
0x68: {  	_ =	shalt  }
0x69: {  	_ =	shalt  }
0x6a: {  	_ =	shalt  }
0x6b: {  	_ =	shalt  }
0x6c: {  	_ =	shalt  }
0x6d: {  	_ =	shalt  }
0x6e: {  	_ =	shalt  }
0x6f: {  	_ =	shalt  }
0x70: {  	_ =	shalt  }
0x71: {  	_ =	shalt  }
0x72: {  	_ =	shalt  }
0x73: {  	_ =	shalt  }
0x74: {  	_ =	shalt  }
0x75: {  	_ =	shalt  }
0x76: {  	_ =	shalt  }
0x77: {  	_ =	shalt  }
0x78: {  	_ =	shalt  }
0x79: {  	_ =	shalt  }
0x7a: {  	_ =	shalt  }
0x7b: {  	_ =	shalt  }
0x7c: {  	_ =	shalt  }
0x7d: {  	_ =	shalt  }
0x7e: {  	_ =	shalt  }
0x7f: {  	_ =	shalt  }
0x80: {  	_ =	shalt  }
0x81: {  	_ =	shalt  }
0x82: {  	_ =	shalt  }
0x83: {  	_ =	shalt  }
0x84: {  	_ =	shalt  }
0x85: {  	_ =	shalt  }
0x86: {  	_ =	shalt  }
0x87: {  	_ =	shalt  }
.Lfunc_end0:
.L_simem_size_0:
called_computation_lowered:
.L_overlay_start_0:
0x88: {  	s2 =	sld [smem:$0x3FD9]  }
0x89: {  	s3 =	sld [smem:$0x3FFE];
	_ =	sdelay $0x1  }
0x8a: {  	s1 =	srdreg.scid  }
0x8b: {  	s0 =	sand.u32 $0x1, s1  }
0x8c: {  	s17 =	sshll.u32 s0, $0xA;
	s2 =	sadd.s32 s3, s2  }
0x8d: {  	s2 =	sadd.s32 s2, s17  }
0x8e: {  	[smem:$0x3FC6] =	sst s2  }
0x8f: {  	_ = 	snop  }
0x90: {  	s2 =	sld [smem:$0x3FD0];
	(tm) =	ssettm $0x1  }
0x91: {  	s18 =	sld [smem:$0x3FFB];
	_ =	sdelay $0x3  }
0x92: {  	_ =	strace s18  }
0x93: {  	s3 =	sld [smem:$0x3FFC];
	_ =	sdelay $0x3  }
0x94: {  	_ =	strace s3  }
0x95: {  	s3 =	sld [smem:$0x3FFD];
	_ =	sdelay $0x3  }
0x96: {  	_ =	strace s3  }
0x97: {  	_ =	strace $0x8FFFFFFF  }
0x98: {  	s19 =	sld [smem:$0x3FDB];
	_ =	sdelay $0x1  }
0x99: {  	s4 =	simm.s32 $_scs_section_size  }
0x9a: {  	s5 =	simm.s32 $_size__tile_overlayer_lowered;
	s6 =	simm.s32 $_tile_overlayer_lowered  }
0x9b: {  	s22 =	simm.s32 $0x1BFF;
	s21 =	sshll.u32 s6, $0x1;
	s3 =	sadd.s32 s4, s19  }
0x9c: {  	s7 =	simm.s32 $0x0;
	s20 =	sshll.u32 s5, $0x1;
	s5 =	sadd.s32 s21, s3  }
0x9d: {  	[timem:s7], [sflag:s22] =	dma.local [hbm:s5], s20  }
0x9e: {  	_ =	swait.ge [sflag:s22], s20  }
0x9f: {  	s4 =	ssub.s32 $0x0, s20;
	[sflag:s22] =	ssyncset.done $0x0  }
0xa0: {  	[sflag:s22] =	ssyncadd.s32 s4;
	_ =	sdelay $0x1  }
0xa1: {  	s23 =	simm.s32 $0x1B8B  }
0xa2: {  	_ =	swait.ge [sflag:s23], $0x1  }
0xa3: {  	[sflag:s23] =	ssyncset.done $0x0  }
0xa4: {  	s25 =	simm.s32 $0x1B8E;
	s24 =	sld [smem:$0x3FFE];
	[sflag:s23] =	ssyncadd.s32 $0xFFFFFFFF  }
0xa5: {  	s26 =	simm.s32 $execute0_lowered;
	[smem:$0x3FD2] =	sst s25  }
0xa6: {  	s5 =	sshll.u32 s26, $0x1;
	_ =	strace $0x80000046;
	[dreg:$0x1] =	wrdreg $0xFFFFFFFF  }
0xa7: {  	s28 =	simm.s32 $_size_execute0_lowered;
	s3 =	sadd.s32 s3, s5;
	[dreg:$0x0] =	wrdreg $0x0  }
0xa8: {  	s5 =	sshll.u32 s28, $0x1;
	[dreg:$0x2] =	wrdreg s3  }
0xa9: {  	[dreg:$0x3] =	wrdreg s5  }
0xaa: {  	[dreg:$0x4] =	wrdreg $0xC0  }
0xab: {  	_ =	task [dreg:s7], $0x5FFFF  }
0xac: {  	[dreg:$0x1] =	wrdreg $0xFFFFFFFF  }
0xad: {  	[dreg:$0x0] =	wrdreg $0x60  }
0xae: {  	[dreg:$0x2] =	wrdreg s24  }
0xaf: {  	[dreg:$0x3] =	wrdreg s2  }
0xb0: {  	[dreg:$0x4] =	wrdreg $0x9  }
0xb1: {  	_ =	task.clear_ibuf [dreg:s7], $0x5FFFF;
	_ =	strace $0x90000046  }
0xb2: {  	s29 =	simm.s32 $0x9;
	_ =	strace $0x80000048  }
0xb3: {  	_ =	swait.ge [sflag:s29], $0x1  }
0xb4: {  	[sflag:s29] =	ssyncadd.s32 $0xFFFFFFFF  }
0xb5: {  	_ =	strace $0x90000048  }
0xb6: {  	_ =	sfence  }
0xb7: {  	s30 =	sld [smem:$0x0];
	_ =	sdelay $0x2  }
0xb8: {  	s31 =	sshll.u32 s1, $0xD;
	s1 =	sshrl.u32 s1, $0x2  }
0xb9: {  	s3 =	sand.u32 $0x4000, s31;
	s1 =	sadd.s32 s1, s30  }
0xba: {  	s0 =	sor.u32 s3, s0;
	s1 =	sshll.u32 s1, $0x11  }
0xbb: {  	s0 =	sor.u32 s1, s0  }
0xbc: {  	s0 =	sadd.s32 $0x8F2B, s0  }
0xbd: {  	[sflag:s0] =	ssyncadd.remote.s32 $0x1  }
0xbe: {  	_ =	sfence.sel $0xFFFF  }
0xbf: {  	[dreg:$0x0] =	wrdreg $0xFFFFFFFF;
	(pc) =	sbr.abs _section_cstart, $3  }
0xc0: {  	[dreg:$0x1] =	wrdreg $0xFFFFFFFF  }
0xc1: {  	_ =	task.clear_ibuf [dreg:s7], $0x2FFFF;
	_ =	strace $0x9FFFFFFF  }
0xc2: {  	(tm) =	ssettm $0x7FFFFFFF  }
0xc3: {  	_ =	shalt  }
tec
execute0_lowered:
.L_overlay_start_1:
0x0: {  	(tag) =	ssettag $0x1  }
0x1: {  	v0 =	vlaneseq.u32  }
0x2: {  	v0 =	vmul.u32 $0x88, v0  }
0x3: {  	s4 =	rddreg [dreg:$0x0];
	v1 =	vimm.s32 $0x0;
	vm0 =	vcmask $0x300  }
0x4: {  	s1 =	srdreg.scid;
	s0 =	stileid.u32;
	v1 =	vsel vm0, $0x3, v1;
	v2 =	vadd.s32 $0x880, v0  }
0x5: {  	s2 =	rddreg [dreg:$0x1];
	s3 =	simm.s32 $0x0;
	s9 =	simm.s32 $0x4000;
	v3 =	vadd.s32 $0x1100, v0;
	v4 =	vadd.s32 $0x1980, v0;
	v5 =	vor.u32 $0x1, v0  }
0x6: {  	s10 =	simm.s32 $0x5;
	s11 =	simm.s32 $0x80;
	s12 =	simm.s32 $0x6400;
	v6 =	vadd.s32 $0x881, v0;
	v7 =	vadd.s32 $0x1101, v0;
	v8 =	vadd.s32 $0x1981, v0  }
0x7: {  	s13 =	simm.s32 $0x8400;
	s14 =	simm.s32 $0x1;
	s15 =	simm.s32 $0xA400;
	v9 =	vor.u32 $0x2, v0;
	v10 =	vadd.s32 $0x882, v0;
	v11 =	vadd.s32 $0x1102, v0  }
0x8: {  	s16 =	simm.s32 $0x2;
	s17 =	simm.s32 $0x4;
	s18 =	simm.s32 $0xC600;
	v12 =	vadd.s32 $0x1982, v0;
	v13 =	vor.u32 $0x3, v0;
	v14 =	vadd.s32 $0x883, v0  }
0x9: {  	s19 =	simm.s32 $0x3;
	s5 =	sand.u32 $0x1, s1;
	s6 =	sshll.u32 s0, $0x1;
	v15 =	vadd.s32 $0x1103, v0;
	v16 =	vadd.s32 $0x1983, v0;
	v17 =	vor.u32 $0x4, v0  }
0xa: {  	s20 =	simm.s32 $0x0;
	s1 =	rddreg [dreg:$0x2];
	s6 =	sor.u32 s5, s6;
	v18 =	vadd.s32 $0x884, v0;
	v19 =	vadd.s32 $0x1104, v0;
	v20 =	vadd.s32 $0x1984, v0  }
0xb: {  	[smem:$0x7FF] =	sst s3;
	s5 =	ssub.s32 $0x2, s5;
	s7 =	sshll.u32 s6, $0x6;
	v21 =	vor.u32 $0x5, v0;
	v22 =	vadd.s32 $0x885, v0;
	v23 =	vadd.s32 $0x1105, v0  }
0xc: {  	_ =	strace $0x80000047;
	s8 =	sshrl.u32 s5, $0x1;
	v24 =	vadd.s32 $0x1985, v0;
	v25 =	vor.u32 $0x6, v0;
	v26 =	vadd.s32 $0x886, v0;
	s7 =	sadd.s32 s7, s4  }
0xd: {  	v27 =	vadd.s32 $0x1106, v0;
	v28 =	vadd.s32 $0x1986, v0;
	v29 =	vor.u32 $0x7, v0;
	s4 =	sadd.s32 $0xF42A00, s4;
	s8 =	ssub.s32 s5, s8;
	s5 =	sshll.u32 s6, $0x2  }
0xe: {  	v30 =	vadd.s32 $0x887, v0;
	v31 =	vadd.s32 $0x1107, v0;
	v32 =	vadd.s32 $0x1987, v0;
	s6 =	sadd.s32 $0x600, s7;
	s7 =	smax.u32 s8, $0x1;
	s8 =	simm.s32 $0x200  }
.LBB2_1:
0xf: {  	[tilespmem:s3], [sflag:$0x5] =	stream.strided.gather [hbm4b:s6+s8], $0x6400, s9, s8, $0x38;
	[tilespmem:$0xE800] =	vst v63  }
0x10: {  	_ =	swait.ge [sflag:s10], $0x6400  }
0x11: {  	[sflag:s10] =	ssyncset.done $0x0  }
0x12: {  	s21 =	simm.s32 $0x0;
	[sflag:s10] =	ssyncadd.s32 $0xFFFF9C00  }
0x13: {  	[tilespmem:s12], [sflag:$0x1] =	stream.indirect.gather [hbm4b:s4+s11], $0x40, s3, s11, $0xb8;
	[tilespmem:$0xE800] =	vst v63  }
.LBB2_2:
0x14: {  	s22 =	sshllo.u32 s21, $0x1  }
0x15: {  	s24 =	sshll.u32 s21, $0x8;
	s23 =	sshll.u32 s22, $0x7  }
0x16: {  	s24 =	sand.u32 $0x7E00, s24;
	s23 =	sand.u32 $0x180, s23  }
0x17: {  	s23 =	sor.u32 s23, s24  }
0x18: {  	[tilespmem:s13], [sflag:$0x2] =	stream.indirect.gather [hbm4b:s4+s11], $0x40, s23, s11, $0xb8;
	[tilespmem:$0xE800] =	vst v63  }
0x19: {  	s30 =	simm.s32 $0x0;
	_ =	swait.ge [sflag:s14], $0x2000  }
0x1a: {  	p0 =	seq.s32 s21, $0x0;
	v33 =	vmov s30;
	[sflag:s14] =	ssyncset.done $0x0  }
0x1b: {  	v33 =	vshrl.u32 v33, $0x3;
	s23 =	simm.s32 @!p0 $0x3;
	[sflag:s14] =	ssyncadd.s32 $0xFFFFE000  }
0x1c: {  	v33 =	vshll.u32 v33, v1;
	_ =	swait.ge @!p0 [sflag:s23], $0x2000  }
0x1d: {  	v33 =	vbroadcast v33, $0x0;
	[sflag:s23] =	ssyncset.done @!p0 $0x0  }
0x1e: {  	[sflag:s23] =	ssyncadd.s32 @!p0 $0xFFFFE000;
	s23 =	simm.s32 $0x6500  }
0x1f: {  	v35 =	vadd.s32 v0, v33;
	v34 =	vld [tilespmem:s23+$0xFFFFFF00]  }
0x20: {  	v37 =	vadd.s32 v2, v33;
	v36 =	vld [tilespmem:s23+$0xFFFFFF10]  }
0x21: {  	v39 =	vadd.s32 v3, v33;
	v38 =	vld [tilespmem:s23+$0xFFFFFF20]  }
0x22: {  	s31 =	simm.s32 $0x1;
	v33 =	vadd.s32 v4, v33;
	v40 =	vld [tilespmem:s23+$0xFFFFFF30]  }
0x23: {  	v41 =	vmov s31  }
0x24: {  	v47 =	vshrl.u32 v41, $0x3;
	[tilespmem:v35+s15+$0x0] =	vst.idx.msk $0xffff, v34  }
0x25: {  	v34 =	vshll.u32 v47, v1;
	[tilespmem:v37+s15+$0x0] =	vst.idx.msk $0xffff, v36  }
0x26: {  	v34 =	vbroadcast v34, $0x0;
	[tilespmem:v39+s15+$0x0] =	vst.idx.msk $0xffff, v38  }
0x27: {  	[tilespmem:v33+s15+$0x0] =	vst.idx.msk $0xffff, v40  }
0x28: {  	v48 =	vadd.s32 v5, v34;
	v33 =	vld [tilespmem:s23+$0xFFFFFF40]  }
0x29: {  	v49 =	vadd.s32 v6, v34;
	v36 =	vld [tilespmem:s23+$0xFFFFFF50]  }
0x2a: {  	v50 =	vadd.s32 v7, v34;
	v38 =	vld [tilespmem:s23+$0xFFFFFF60]  }
0x2b: {  	s25 =	simm.s32 $0x2;
	v34 =	vadd.s32 v8, v34;
	v40 =	vld [tilespmem:s23+$0xFFFFFF70]  }
0x2c: {  	v51 =	vmov s25  }
0x2d: {  	v52 =	vshrl.u32 v51, $0x3;
	[tilespmem:v48+s15+$0x0] =	vst.idx.msk $0xffff, v33  }
0x2e: {  	v33 =	vshll.u32 v52, v1;
	[tilespmem:v49+s15+$0x0] =	vst.idx.msk $0xffff, v36  }
0x2f: {  	v33 =	vbroadcast v33, $0x0;
	[tilespmem:v50+s15+$0x0] =	vst.idx.msk $0xffff, v38  }
0x30: {  	[tilespmem:v34+s15+$0x0] =	vst.idx.msk $0xffff, v40  }
0x31: {  	v53 =	vadd.s32 v9, v33;
	v34 =	vld [tilespmem:s23+$0xFFFFFF80]  }
0x32: {  	v54 =	vadd.s32 v10, v33;
	v36 =	vld [tilespmem:s23+$0xFFFFFF90]  }
0x33: {  	v55 =	vadd.s32 v11, v33;
	v38 =	vld [tilespmem:s23+$0xFFFFFFA0]  }
0x34: {  	s26 =	simm.s32 $0x3;
	v33 =	vadd.s32 v12, v33;
	v40 =	vld [tilespmem:s23+$0xFFFFFFB0]  }
0x35: {  	v56 =	vmov s26  }
0x36: {  	v57 =	vshrl.u32 v56, $0x3;
	[tilespmem:v53+s15+$0x0] =	vst.idx.msk $0xffff, v34  }
0x37: {  	v34 =	vshll.u32 v57, v1;
	[tilespmem:v54+s15+$0x0] =	vst.idx.msk $0xffff, v36  }
0x38: {  	v34 =	vbroadcast v34, $0x0;
	[tilespmem:v55+s15+$0x0] =	vst.idx.msk $0xffff, v38  }
0x39: {  	[tilespmem:v33+s15+$0x0] =	vst.idx.msk $0xffff, v40  }
0x3a: {  	v58 =	vadd.s32 v13, v34;
	v33 =	vld [tilespmem:s23+$0xFFFFFFC0]  }
0x3b: {  	v59 =	vadd.s32 v14, v34;
	v36 =	vld [tilespmem:s23+$0xFFFFFFD0]  }
0x3c: {  	v60 =	vadd.s32 v15, v34;
	v38 =	vld [tilespmem:s23+$0xFFFFFFE0]  }
0x3d: {  	s28 =	simm.s32 $0x4;
	v34 =	vadd.s32 v16, v34;
	v40 =	vld [tilespmem:s23+$0xFFFFFFF0]  }
0x3e: {  	v61 =	vmov s28  }
0x3f: {  	v62 =	vshrl.u32 v61, $0x3;
	[tilespmem:v58+s15+$0x0] =	vst.idx.msk $0xffff, v33  }
0x40: {  	v33 =	vshll.u32 v62, v1;
	[tilespmem:v59+s15+$0x0] =	vst.idx.msk $0xffff, v36  }
0x41: {  	v33 =	vbroadcast v33, $0x0;
	[tilespmem:v60+s15+$0x0] =	vst.idx.msk $0xffff, v38  }
0x42: {  	[tilespmem:v34+s15+$0x0] =	vst.idx.msk $0xffff, v40  }
0x43: {  	v63 =	vadd.s32 v17, v33;
	v34 =	vld [tilespmem:s23+$0x0]  }
0x44: {  	v44 =	vadd.s32 v18, v33;
	v36 =	vld [tilespmem:s23+$0x10]  }
0x45: {  	v45 =	vadd.s32 v19, v33;
	v38 =	vld [tilespmem:s23+$0x20]  }
0x46: {  	s29 =	simm.s32 $0x5;
	v33 =	vadd.s32 v20, v33;
	v40 =	vld [tilespmem:s23+$0x30]  }
0x47: {  	v46 =	vmov s29  }
0x48: {  	v47 =	vshrl.u32 v46, $0x3;
	[tilespmem:v63+s15+$0x0] =	vst.idx.msk $0xffff, v34  }
0x49: {  	v34 =	vshll.u32 v47, v1;
	[tilespmem:v44+s15+$0x0] =	vst.idx.msk $0xffff, v36  }
0x4a: {  	v34 =	vbroadcast v34, $0x0;
	[tilespmem:v45+s15+$0x0] =	vst.idx.msk $0xffff, v38  }
0x4b: {  	[tilespmem:v33+s15+$0x0] =	vst.idx.msk $0xffff, v40  }
0x4c: {  	v48 =	vadd.s32 v21, v34;
	v33 =	vld [tilespmem:s23+$0x40]  }
0x4d: {  	v49 =	vadd.s32 v22, v34;
	v36 =	vld [tilespmem:s23+$0x50]  }
0x4e: {  	v50 =	vadd.s32 v23, v34;
	v38 =	vld [tilespmem:s23+$0x60]  }
0x4f: {  	s30 =	simm.s32 $0x6;
	v34 =	vadd.s32 v24, v34;
	v40 =	vld [tilespmem:s23+$0x70]  }
0x50: {  	v51 =	vmov s30  }
0x51: {  	v52 =	vshrl.u32 v51, $0x3;
	[tilespmem:v48+s15+$0x0] =	vst.idx.msk $0xffff, v33  }
0x52: {  	v33 =	vshll.u32 v52, v1;
	[tilespmem:v49+s15+$0x0] =	vst.idx.msk $0xffff, v36  }
0x53: {  	v33 =	vbroadcast v33, $0x0;
	[tilespmem:v50+s15+$0x0] =	vst.idx.msk $0xffff, v38  }
0x54: {  	[tilespmem:v34+s15+$0x0] =	vst.idx.msk $0xffff, v40  }
0x55: {  	v53 =	vadd.s32 v25, v33;
	v34 =	vld [tilespmem:s23+$0x80]  }
0x56: {  	v54 =	vadd.s32 v26, v33;
	v36 =	vld [tilespmem:s23+$0x90]  }
0x57: {  	v55 =	vadd.s32 v27, v33;
	v38 =	vld [tilespmem:s23+$0xA0]  }
0x58: {  	s31 =	simm.s32 $0x7;
	v33 =	vadd.s32 v28, v33;
	v40 =	vld [tilespmem:s23+$0xB0]  }
0x59: {  	v56 =	vmov s31  }
0x5a: {  	v57 =	vshrl.u32 v56, $0x3;
	[tilespmem:v53+s15+$0x0] =	vst.idx.msk $0xffff, v34  }
0x5b: {  	v34 =	vshll.u32 v57, v1;
	[tilespmem:v54+s15+$0x0] =	vst.idx.msk $0xffff, v36  }
0x5c: {  	v58 =	vbroadcast v34, $0x0;
	[tilespmem:v55+s15+$0x0] =	vst.idx.msk $0xffff, v38  }
0x5d: {  	[tilespmem:v33+s15+$0x0] =	vst.idx.msk $0xffff, v40  }
0x5e: {  	v59 =	vadd.s32 v29, v58;
	v33 =	vld [tilespmem:s23+$0xC0]  }
0x5f: {  	v60 =	vadd.s32 v30, v58;
	v37 =	vld [tilespmem:s23+$0xD0]  }
0x60: {  	v61 =	vadd.s32 v31, v58;
	v39 =	vld [tilespmem:s23+$0xE0]  }
0x61: {  	s25 =	simm.s32 $0x8  }
0x62: {  	v62 =	vmov s25;
	v35 =	vadd.s32 v32, v58;
	v34 =	vld [tilespmem:s23+$0xF0]  }
0x63: {  	v41 =	vshrl.u32 v62, $0x3;
	[tilespmem:v59+s15+$0x0] =	vst.idx.msk $0xffff, v33  }
0x64: {  	v63 =	vshll.u32 v41, v1;
	[tilespmem:v60+s15+$0x0] =	vst.idx.msk $0xffff, v37  }
0x65: {  	s26 =	simm.s32 $0x10;
	s24 =	sshll.u32 s21, $0x1;
	v33 =	vbroadcast v63, $0x0;
	[tilespmem:v61+s15+$0x0] =	vst.idx.msk $0xffff, v39  }
.LBB2_3:
0x66: {  	p1 =	slt.u32 s26, $0x78  }
0x67: {  	[tilespmem:v35+s15+$0x0] =	vst.idx.msk $0xffff, v34;
	s23 =	sadd.s32 $0x200, s23;
	s28 =	smov.u32 s26;
	s26 =	sadd.s32 $0x8, s26  }
0x68: {  	v34 =	vld [tilespmem:s23+$0xFFFFFF00];
	v35 =	vadd.s32 v0, v33  }
0x69: {  	v37 =	vadd.s32 v2, v33;
	v36 =	vld [tilespmem:s23+$0xFFFFFF10]  }
0x6a: {  	v39 =	vadd.s32 v3, v33;
	v38 =	vld [tilespmem:s23+$0xFFFFFF20]  }
0x6b: {  	s29 =	sadd.s32 $0x1, s25;
	v33 =	vadd.s32 v4, v33;
	v40 =	vld [tilespmem:s23+$0xFFFFFF30]  }
0x6c: {  	v41 =	vmov s29  }
0x6d: {  	[tilespmem:v35+s15+$0x0] =	vst.idx.msk $0xffff, v34;
	v34 =	vshrl.u32 v41, $0x3  }
0x6e: {  	[tilespmem:v37+s15+$0x0] =	vst.idx.msk $0xffff, v36;
	v34 =	vshll.u32 v34, v1  }
0x6f: {  	[tilespmem:v39+s15+$0x0] =	vst.idx.msk $0xffff, v38;
	v34 =	vbroadcast v34, $0x0  }
0x70: {  	[tilespmem:v33+s15+$0x0] =	vst.idx.msk $0xffff, v40  }
0x71: {  	v33 =	vld [tilespmem:s23+$0xFFFFFF40];
	v35 =	vadd.s32 v5, v34  }
0x72: {  	v37 =	vadd.s32 v6, v34;
	v36 =	vld [tilespmem:s23+$0xFFFFFF50]  }
0x73: {  	v39 =	vadd.s32 v7, v34;
	v38 =	vld [tilespmem:s23+$0xFFFFFF60]  }
0x74: {  	s29 =	sadd.s32 $0x2, s25;
	v34 =	vadd.s32 v8, v34;
	v40 =	vld [tilespmem:s23+$0xFFFFFF70]  }
0x75: {  	v41 =	vmov s29  }
0x76: {  	[tilespmem:v35+s15+$0x0] =	vst.idx.msk $0xffff, v33;
	v33 =	vshrl.u32 v41, $0x3  }
0x77: {  	[tilespmem:v37+s15+$0x0] =	vst.idx.msk $0xffff, v36;
	v33 =	vshll.u32 v33, v1  }
0x78: {  	[tilespmem:v39+s15+$0x0] =	vst.idx.msk $0xffff, v38;
	v33 =	vbroadcast v33, $0x0  }
0x79: {  	[tilespmem:v34+s15+$0x0] =	vst.idx.msk $0xffff, v40  }
0x7a: {  	v34 =	vld [tilespmem:s23+$0xFFFFFF80];
	v35 =	vadd.s32 v9, v33  }
0x7b: {  	v37 =	vadd.s32 v10, v33;
	v36 =	vld [tilespmem:s23+$0xFFFFFF90]  }
0x7c: {  	v39 =	vadd.s32 v11, v33;
	v38 =	vld [tilespmem:s23+$0xFFFFFFA0]  }
0x7d: {  	s29 =	sadd.s32 $0x3, s25;
	v33 =	vadd.s32 v12, v33;
	v40 =	vld [tilespmem:s23+$0xFFFFFFB0]  }
0x7e: {  	v41 =	vmov s29  }
0x7f: {  	[tilespmem:v35+s15+$0x0] =	vst.idx.msk $0xffff, v34;
	v34 =	vshrl.u32 v41, $0x3  }
0x80: {  	[tilespmem:v37+s15+$0x0] =	vst.idx.msk $0xffff, v36;
	v34 =	vshll.u32 v34, v1  }
0x81: {  	[tilespmem:v39+s15+$0x0] =	vst.idx.msk $0xffff, v38;
	v34 =	vbroadcast v34, $0x0  }
0x82: {  	[tilespmem:v33+s15+$0x0] =	vst.idx.msk $0xffff, v40  }
0x83: {  	v33 =	vld [tilespmem:s23+$0xFFFFFFC0];
	v35 =	vadd.s32 v13, v34  }
0x84: {  	v37 =	vadd.s32 v14, v34;
	v36 =	vld [tilespmem:s23+$0xFFFFFFD0]  }
0x85: {  	v39 =	vadd.s32 v15, v34;
	v38 =	vld [tilespmem:s23+$0xFFFFFFE0]  }
0x86: {  	s29 =	sadd.s32 $0x4, s25;
	v34 =	vadd.s32 v16, v34;
	v40 =	vld [tilespmem:s23+$0xFFFFFFF0]  }
0x87: {  	v41 =	vmov s29  }
0x88: {  	[tilespmem:v35+s15+$0x0] =	vst.idx.msk $0xffff, v33;
	v33 =	vshrl.u32 v41, $0x3  }
0x89: {  	[tilespmem:v37+s15+$0x0] =	vst.idx.msk $0xffff, v36;
	v33 =	vshll.u32 v33, v1  }
0x8a: {  	[tilespmem:v39+s15+$0x0] =	vst.idx.msk $0xffff, v38;
	v33 =	vbroadcast v33, $0x0  }
0x8b: {  	[tilespmem:v34+s15+$0x0] =	vst.idx.msk $0xffff, v40  }
0x8c: {  	v34 =	vld [tilespmem:s23+$0x0];
	v35 =	vadd.s32 v17, v33  }
0x8d: {  	v37 =	vadd.s32 v18, v33;
	v36 =	vld [tilespmem:s23+$0x10]  }
0x8e: {  	v39 =	vadd.s32 v19, v33;
	v38 =	vld [tilespmem:s23+$0x20]  }
0x8f: {  	s29 =	sadd.s32 $0x5, s25;
	v33 =	vadd.s32 v20, v33;
	v40 =	vld [tilespmem:s23+$0x30]  }
0x90: {  	v41 =	vmov s29  }
0x91: {  	[tilespmem:v35+s15+$0x0] =	vst.idx.msk $0xffff, v34;
	v34 =	vshrl.u32 v41, $0x3  }
0x92: {  	[tilespmem:v37+s15+$0x0] =	vst.idx.msk $0xffff, v36;
	v34 =	vshll.u32 v34, v1  }
0x93: {  	[tilespmem:v39+s15+$0x0] =	vst.idx.msk $0xffff, v38;
	v34 =	vbroadcast v34, $0x0  }
0x94: {  	[tilespmem:v33+s15+$0x0] =	vst.idx.msk $0xffff, v40  }
0x95: {  	v33 =	vld [tilespmem:s23+$0x40];
	v35 =	vadd.s32 v21, v34  }
0x96: {  	v37 =	vadd.s32 v22, v34;
	v36 =	vld [tilespmem:s23+$0x50]  }
0x97: {  	v39 =	vadd.s32 v23, v34;
	v38 =	vld [tilespmem:s23+$0x60]  }
0x98: {  	s29 =	sadd.s32 $0x6, s25;
	v34 =	vadd.s32 v24, v34;
	v40 =	vld [tilespmem:s23+$0x70]  }
0x99: {  	v41 =	vmov s29  }
0x9a: {  	[tilespmem:v35+s15+$0x0] =	vst.idx.msk $0xffff, v33;
	v33 =	vshrl.u32 v41, $0x3  }
0x9b: {  	[tilespmem:v37+s15+$0x0] =	vst.idx.msk $0xffff, v36;
	v33 =	vshll.u32 v33, v1  }
0x9c: {  	[tilespmem:v39+s15+$0x0] =	vst.idx.msk $0xffff, v38;
	v33 =	vbroadcast v33, $0x0  }
0x9d: {  	[tilespmem:v34+s15+$0x0] =	vst.idx.msk $0xffff, v40  }
0x9e: {  	v34 =	vld [tilespmem:s23+$0x80];
	v35 =	vadd.s32 v25, v33  }
0x9f: {  	v37 =	vadd.s32 v26, v33;
	v36 =	vld [tilespmem:s23+$0x90]  }
0xa0: {  	v39 =	vadd.s32 v27, v33;
	v38 =	vld [tilespmem:s23+$0xA0]  }
0xa1: {  	s29 =	sadd.s32 $0x7, s25;
	s25 =	smov.u32 s28;
	v33 =	vadd.s32 v28, v33;
	v40 =	vld [tilespmem:s23+$0xB0]  }
0xa2: {  	v41 =	vmov s29  }
0xa3: {  	[tilespmem:v35+s15+$0x0] =	vst.idx.msk $0xffff, v34;
	v34 =	vshrl.u32 v41, $0x3  }
0xa4: {  	[tilespmem:v37+s15+$0x0] =	vst.idx.msk $0xffff, v36;
	v34 =	vshll.u32 v34, v1  }
0xa5: {  	[tilespmem:v39+s15+$0x0] =	vst.idx.msk $0xffff, v38;
	v35 =	vbroadcast v34, $0x0  }
0xa6: {  	[tilespmem:v33+s15+$0x0] =	vst.idx.msk $0xffff, v40  }
0xa7: {  	v33 =	vld [tilespmem:s23+$0xC0];
	v36 =	vadd.s32 v29, v35  }
0xa8: {  	v38 =	vadd.s32 v30, v35;
	v37 =	vld [tilespmem:s23+$0xD0]  }
0xa9: {  	v40 =	vadd.s32 v31, v35;
	v39 =	vld [tilespmem:s23+$0xE0]  }
.Ltmp0:
0xaa: {  	v35 =	vadd.s32 v32, v35;
	v34 =	vld [tilespmem:s23+$0xF0];
	(pc) =	sbr.rel @p1 .LBB2_3-.Ltmp0, $4  }
0xab: {  	v41 =	vmov s25  }
0xac: {  	v41 =	vshrl.u32 v41, $0x3;
	[tilespmem:v36+s15+$0x0] =	vst.idx.msk $0xffff, v33  }
0xad: {  	v33 =	vshll.u32 v41, v1;
	[tilespmem:v38+s15+$0x0] =	vst.idx.msk $0xffff, v37  }
0xae: {  	v33 =	vbroadcast v33, $0x0;
	[tilespmem:v40+s15+$0x0] =	vst.idx.msk $0xffff, v39  }
0xaf: {  	_ =	sdelay $0x3  }
0xb0: {  	[tilespmem:v35+s15+$0x0] =	vst.idx.msk $0xffff, v34;
	s23 =	sadd.s32 $0x200, s23  }
0xb1: {  	v34 =	vld [tilespmem:s23+$0xFFFFFF00];
	v48 =	vadd.s32 v0, v33  }
0xb2: {  	v36 =	vld [tilespmem:s23+$0xFFFFFF10];
	v37 =	vadd.s32 v2, v33  }
0xb3: {  	v38 =	vld [tilespmem:s23+$0xFFFFFF20];
	v39 =	vadd.s32 v3, v33  }
0xb4: {  	s26 =	sadd.s32 $0x1, s25;
	v40 =	vld [tilespmem:s23+$0xFFFFFF30];
	v49 =	vadd.s32 v4, v33  }
0xb5: {  	v41 =	vmov s26  }
0xb6: {  	v50 =	vshrl.u32 v41, $0x3;
	[tilespmem:v48+s15+$0x0] =	vst.idx.msk $0xffff, v34  }
0xb7: {  	v34 =	vshll.u32 v50, v1;
	[tilespmem:v37+s15+$0x0] =	vst.idx.msk $0xffff, v36  }
0xb8: {  	v34 =	vbroadcast v34, $0x0;
	[tilespmem:v39+s15+$0x0] =	vst.idx.msk $0xffff, v38  }
0xb9: {  	[tilespmem:v49+s15+$0x0] =	vst.idx.msk $0xffff, v40  }
0xba: {  	v51 =	vadd.s32 v5, v34;
	v33 =	vld [tilespmem:s23+$0xFFFFFF40]  }
0xbb: {  	v52 =	vadd.s32 v6, v34;
	v36 =	vld [tilespmem:s23+$0xFFFFFF50]  }
0xbc: {  	v53 =	vadd.s32 v7, v34;
	v38 =	vld [tilespmem:s23+$0xFFFFFF60]  }
0xbd: {  	s31 =	sadd.s32 $0x2, s25;
	v34 =	vadd.s32 v8, v34;
	v40 =	vld [tilespmem:s23+$0xFFFFFF70]  }
0xbe: {  	v54 =	vmov s31  }
0xbf: {  	v55 =	vshrl.u32 v54, $0x3;
	[tilespmem:v51+s15+$0x0] =	vst.idx.msk $0xffff, v33  }
0xc0: {  	v33 =	vshll.u32 v55, v1;
	[tilespmem:v52+s15+$0x0] =	vst.idx.msk $0xffff, v36  }
0xc1: {  	v33 =	vbroadcast v33, $0x0;
	[tilespmem:v53+s15+$0x0] =	vst.idx.msk $0xffff, v38  }
0xc2: {  	[tilespmem:v34+s15+$0x0] =	vst.idx.msk $0xffff, v40  }
0xc3: {  	v56 =	vadd.s32 v9, v33;
	v34 =	vld [tilespmem:s23+$0xFFFFFF80]  }
0xc4: {  	v57 =	vadd.s32 v10, v33;
	v36 =	vld [tilespmem:s23+$0xFFFFFF90]  }
0xc5: {  	v58 =	vadd.s32 v11, v33;
	v38 =	vld [tilespmem:s23+$0xFFFFFFA0]  }
0xc6: {  	s31 =	sadd.s32 $0x3, s25;
	v33 =	vadd.s32 v12, v33;
	v40 =	vld [tilespmem:s23+$0xFFFFFFB0]  }
0xc7: {  	v59 =	vmov s31  }
0xc8: {  	v60 =	vshrl.u32 v59, $0x3;
	[tilespmem:v56+s15+$0x0] =	vst.idx.msk $0xffff, v34  }
0xc9: {  	v34 =	vshll.u32 v60, v1;
	[tilespmem:v57+s15+$0x0] =	vst.idx.msk $0xffff, v36  }
0xca: {  	v34 =	vbroadcast v34, $0x0;
	[tilespmem:v58+s15+$0x0] =	vst.idx.msk $0xffff, v38  }
0xcb: {  	[tilespmem:v33+s15+$0x0] =	vst.idx.msk $0xffff, v40  }
0xcc: {  	v61 =	vadd.s32 v13, v34;
	v33 =	vld [tilespmem:s23+$0xFFFFFFC0]  }
0xcd: {  	v62 =	vadd.s32 v14, v34;
	v36 =	vld [tilespmem:s23+$0xFFFFFFD0]  }
0xce: {  	v63 =	vadd.s32 v15, v34;
	v38 =	vld [tilespmem:s23+$0xFFFFFFE0]  }
0xcf: {  	s31 =	sadd.s32 $0x4, s25;
	v34 =	vadd.s32 v16, v34;
	v40 =	vld [tilespmem:s23+$0xFFFFFFF0]  }
0xd0: {  	v44 =	vmov s31  }
0xd1: {  	v45 =	vshrl.u32 v44, $0x3;
	[tilespmem:v61+s15+$0x0] =	vst.idx.msk $0xffff, v33  }
0xd2: {  	v33 =	vshll.u32 v45, v1;
	[tilespmem:v62+s15+$0x0] =	vst.idx.msk $0xffff, v36  }
0xd3: {  	v33 =	vbroadcast v33, $0x0;
	[tilespmem:v63+s15+$0x0] =	vst.idx.msk $0xffff, v38  }
0xd4: {  	[tilespmem:v34+s15+$0x0] =	vst.idx.msk $0xffff, v40  }
0xd5: {  	v46 =	vadd.s32 v17, v33;
	v34 =	vld [tilespmem:s23+$0x0]  }
0xd6: {  	v47 =	vadd.s32 v18, v33;
	v36 =	vld [tilespmem:s23+$0x10]  }
0xd7: {  	v48 =	vadd.s32 v19, v33;
	v38 =	vld [tilespmem:s23+$0x20]  }
0xd8: {  	s31 =	sadd.s32 $0x5, s25;
	v33 =	vadd.s32 v20, v33;
	v40 =	vld [tilespmem:s23+$0x30]  }
0xd9: {  	v49 =	vmov s31  }
0xda: {  	v50 =	vshrl.u32 v49, $0x3;
	[tilespmem:v46+s15+$0x0] =	vst.idx.msk $0xffff, v34  }
0xdb: {  	v34 =	vshll.u32 v50, v1;
	[tilespmem:v47+s15+$0x0] =	vst.idx.msk $0xffff, v36  }
0xdc: {  	v34 =	vbroadcast v34, $0x0;
	[tilespmem:v48+s15+$0x0] =	vst.idx.msk $0xffff, v38  }
0xdd: {  	[tilespmem:v33+s15+$0x0] =	vst.idx.msk $0xffff, v40  }
0xde: {  	v51 =	vadd.s32 v21, v34;
	v33 =	vld [tilespmem:s23+$0x40]  }
0xdf: {  	v52 =	vadd.s32 v22, v34;
	v36 =	vld [tilespmem:s23+$0x50]  }
0xe0: {  	v53 =	vadd.s32 v23, v34;
	v38 =	vld [tilespmem:s23+$0x60]  }
0xe1: {  	s31 =	sadd.s32 $0x6, s25;
	v34 =	vadd.s32 v24, v34;
	v40 =	vld [tilespmem:s23+$0x70]  }
0xe2: {  	v54 =	vmov s31  }
0xe3: {  	v55 =	vshrl.u32 v54, $0x3;
	[tilespmem:v51+s15+$0x0] =	vst.idx.msk $0xffff, v33  }
0xe4: {  	v33 =	vshll.u32 v55, v1;
	[tilespmem:v52+s15+$0x0] =	vst.idx.msk $0xffff, v36  }
0xe5: {  	v33 =	vbroadcast v33, $0x0;
	[tilespmem:v53+s15+$0x0] =	vst.idx.msk $0xffff, v38  }
0xe6: {  	[tilespmem:v34+s15+$0x0] =	vst.idx.msk $0xffff, v40  }
0xe7: {  	v56 =	vadd.s32 v25, v33;
	v34 =	vld [tilespmem:s23+$0x80]  }
0xe8: {  	v57 =	vadd.s32 v26, v33;
	v36 =	vld [tilespmem:s23+$0x90]  }
0xe9: {  	v58 =	vadd.s32 v27, v33;
	v38 =	vld [tilespmem:s23+$0xA0]  }
0xea: {  	s31 =	sadd.s32 $0x7, s25;
	v33 =	vadd.s32 v28, v33;
	v40 =	vld [tilespmem:s23+$0xB0]  }
0xeb: {  	v59 =	vmov s31  }
0xec: {  	v60 =	vshrl.u32 v59, $0x3;
	[tilespmem:v56+s15+$0x0] =	vst.idx.msk $0xffff, v34  }
0xed: {  	v34 =	vshll.u32 v60, v1;
	[tilespmem:v57+s15+$0x0] =	vst.idx.msk $0xffff, v36  }
0xee: {  	v34 =	vbroadcast v34, $0x0;
	[tilespmem:v58+s15+$0x0] =	vst.idx.msk $0xffff, v38  }
0xef: {  	[tilespmem:v33+s15+$0x0] =	vst.idx.msk $0xffff, v40  }
0xf0: {  	v61 =	vadd.s32 v29, v34;
	v33 =	vld [tilespmem:s23+$0xC0]  }
0xf1: {  	v62 =	vadd.s32 v30, v34;
	v36 =	vld [tilespmem:s23+$0xD0]  }
0xf2: {  	v63 =	vadd.s32 v31, v34;
	v38 =	vld [tilespmem:s23+$0xE0]  }
0xf3: {  	v34 =	vadd.s32 v32, v34;
	v40 =	vld [tilespmem:s23+$0xF0];
	_ =	sdelay $0x1  }
0xf4: {  	s26 =	sand.u32 $0x2, s24;
	s25 =	sshll.u32 s21, $0x10;
	[tilespmem:v61+s15+$0x0] =	vst.idx.msk $0xffff, v33  }
0xf5: {  	s23 =	sand.u32 $0x7E0000, s25;
	s25 =	sor.u32 s5, s26;
	[tilespmem:v62+s15+$0x0] =	vst.idx.msk $0xffff, v36  }
0xf6: {  	s25 =	sshll.u32 s25, $0x7;
	s23 =	sadd.s32 s2, s23;
	[tilespmem:v63+s15+$0x0] =	vst.idx.msk $0xffff, v38  }
0xf7: {  	s31 =	simm.s32 $0xA400;
	s26 =	sadd.s32 s25, s23;
	[tilespmem:v34+s15+$0x0] =	vst.idx.msk $0xffff, v40  }
0xf8: {  	[hbm4b:s26+s3] =	stream.linear.scatter [tilespmem:s31], [sflag:$0x3], $0x80, $0x38;
	[tilespmem:$0xE800] =	vst v63  }
0xf9: {  	s28 =	sadd.s32 $0x10, s26;
	s31 =	simm.s32 $0xA488  }
0xfa: {  	[hbm4b:s28+s3] =	stream.linear.scatter [tilespmem:s31], [sflag:$0x3], $0x80, $0x38;
	[tilespmem:$0xE800] =	vst v63  }
0xfb: {  	s31 =	simm.s32 $0xA510;
	s28 =	sadd.s32 $0x20, s26  }
0xfc: {  	[hbm4b:s28+s3] =	stream.linear.scatter [tilespmem:s31], [sflag:$0x3], $0x80, $0x38;
	[tilespmem:$0xE800] =	vst v63  }
0xfd: {  	s31 =	simm.s32 $0xA598;
	s28 =	sadd.s32 $0x30, s26  }
0xfe: {  	[hbm4b:s28+s3] =	stream.linear.scatter [tilespmem:s31], [sflag:$0x3], $0x80, $0x38;
	[tilespmem:$0xE800] =	vst v63  }
0xff: {  	s31 =	simm.s32 $0xA620;
	s28 =	sadd.s32 $0x40, s26  }
0x100: {  	[hbm4b:s28+s3] =	stream.linear.scatter [tilespmem:s31], [sflag:$0x3], $0x80, $0x38;
	[tilespmem:$0xE800] =	vst v63  }
0x101: {  	s29 =	simm.s32 $0xA7B8;
	s31 =	simm.s32 $0xA6A8;
	s28 =	sadd.s32 $0x50, s26  }
0x102: {  	[hbm4b:s28+s3] =	stream.linear.scatter [tilespmem:s31], [sflag:$0x3], $0x80, $0x38;
	[tilespmem:$0xE800] =	vst v63  }
0x103: {  	s25 =	simm.s32 $0x440;
	s31 =	simm.s32 $0xA730;
	s28 =	sadd.s32 $0x60, s26  }
0x104: {  	[hbm4b:s28+s3] =	stream.linear.scatter [tilespmem:s31], [sflag:$0x3], $0x80, $0x38;
	[tilespmem:$0xE800] =	vst v63  }
0x105: {  	s30 =	sadd.s32 $0x70, s26;
	s26 =	sadd.s32 $0x4000, s26;
	s28 =	simm.s32 $0x2200  }
.LBB2_5:
0x106: {  	[hbm4b:s30+s3] =	stream.linear.scatter [tilespmem:s29], [sflag:$0x3], $0x80, $0x38;
	[tilespmem:$0xE800] =	vst v63  }
0x107: {  	s29 =	smov.u32 s25;
	s25 =	smov.u32 s28  }
0x108: {  	s31 =	sadd.s32 $0x1100, s28;
	s25 =	sshra.s32 s25, $0x2;
	s30 =	sadd.s32 $0xA400, s29  }
0x109: {  	[hbm4b:s26+s3] =	stream.linear.scatter [tilespmem:s30], [sflag:$0x3], $0x80, $0x38;
	[tilespmem:$0xE800] =	vst v63  }
0x10a: {  	p1 =	sne.s32 s28, $0x7700;
	s28 =	sadd.s32 $0xA488, s29;
	s30 =	sadd.s32 $0x10, s26  }
0x10b: {  	[hbm4b:s30+s3] =	stream.linear.scatter [tilespmem:s28], [sflag:$0x3], $0x80, $0x38;
	[tilespmem:$0xE800] =	vst v63  }
0x10c: {  	s28 =	sadd.s32 $0xA510, s29;
	s30 =	sadd.s32 $0x20, s26  }
0x10d: {  	[hbm4b:s30+s3] =	stream.linear.scatter [tilespmem:s28], [sflag:$0x3], $0x80, $0x38;
	[tilespmem:$0xE800] =	vst v63  }
0x10e: {  	s28 =	sadd.s32 $0xA598, s29;
	s30 =	sadd.s32 $0x30, s26  }
0x10f: {  	[hbm4b:s30+s3] =	stream.linear.scatter [tilespmem:s28], [sflag:$0x3], $0x80, $0x38;
	[tilespmem:$0xE800] =	vst v63  }
0x110: {  	s28 =	sadd.s32 $0xA620, s29;
	s30 =	sadd.s32 $0x40, s26  }
0x111: {  	[hbm4b:s30+s3] =	stream.linear.scatter [tilespmem:s28], [sflag:$0x3], $0x80, $0x38;
	[tilespmem:$0xE800] =	vst v63  }
.Ltmp1:
0x112: {  	s28 =	sadd.s32 $0xA6A8, s29;
	s30 =	sadd.s32 $0x50, s26;
	(pc) =	sbr.rel @p1 .LBB2_5-.Ltmp1, $4  }
0x113: {  	[hbm4b:s30+s3] =	stream.linear.scatter [tilespmem:s28], [sflag:$0x3], $0x80, $0x38;
	[tilespmem:$0xE800] =	vst v63  }
0x114: {  	s28 =	sadd.s32 $0xA730, s29;
	s30 =	sadd.s32 $0x60, s26;
	s29 =	sadd.s32 $0xA7B8, s29  }
0x115: {  	[hbm4b:s30+s3] =	stream.linear.scatter [tilespmem:s28], [sflag:$0x3], $0x80, $0x38;
	[tilespmem:$0xE800] =	vst v63  }
0x116: {  	s30 =	sadd.s32 $0x70, s26;
	s26 =	sadd.s32 $0x4000, s26;
	s28 =	smov.u32 s31  }
0x117: {  	[hbm4b:s30+s3] =	stream.linear.scatter [tilespmem:s29], [sflag:$0x3], $0x80, $0x38;
	[tilespmem:$0xE800] =	vst v63  }
0x118: {  	s28 =	sadd.s32 $0xA400, s25  }
0x119: {  	[hbm4b:s26+s3] =	stream.linear.scatter [tilespmem:s28], [sflag:$0x3], $0x80, $0x38;
	[tilespmem:$0xE800] =	vst v63  }
0x11a: {  	s30 =	sadd.s32 $0xA488, s25;
	s31 =	sadd.s32 $0x10, s26  }
0x11b: {  	[hbm4b:s31+s3] =	stream.linear.scatter [tilespmem:s30], [sflag:$0x3], $0x80, $0x38;
	[tilespmem:$0xE800] =	vst v63  }
0x11c: {  	s30 =	sadd.s32 $0xA510, s25;
	s31 =	sadd.s32 $0x20, s26  }
0x11d: {  	[hbm4b:s31+s3] =	stream.linear.scatter [tilespmem:s30], [sflag:$0x3], $0x80, $0x38;
	[tilespmem:$0xE800] =	vst v63  }
0x11e: {  	s30 =	sadd.s32 $0xA598, s25;
	s31 =	sadd.s32 $0x30, s26  }
0x11f: {  	[hbm4b:s31+s3] =	stream.linear.scatter [tilespmem:s30], [sflag:$0x3], $0x80, $0x38;
	[tilespmem:$0xE800] =	vst v63  }
0x120: {  	s30 =	sadd.s32 $0xA620, s25;
	s31 =	sadd.s32 $0x40, s26  }
0x121: {  	[hbm4b:s31+s3] =	stream.linear.scatter [tilespmem:s30], [sflag:$0x3], $0x80, $0x38;
	[tilespmem:$0xE800] =	vst v63  }
0x122: {  	p1 =	sne.s32 s21, $0x63;
	s30 =	sadd.s32 $0xA6A8, s25;
	s31 =	sadd.s32 $0x50, s26  }
0x123: {  	[hbm4b:s31+s3] =	stream.linear.scatter [tilespmem:s30], [sflag:$0x3], $0x80, $0x38;
	[tilespmem:$0xE800] =	vst v63  }
.Ltmp2:
0x124: {  	_ = 	snop;
	(pc) =	sbr.rel @p1 .LBB2_8-.Ltmp2, $4  }
0x125: {  	s30 =	sadd.s32 $0xA730, s25;
	s31 =	sadd.s32 $0x60, s26  }
0x126: {  	[hbm4b:s31+s3] =	stream.linear.scatter [tilespmem:s30], [sflag:$0x3], $0x80, $0x38;
	[tilespmem:$0xE800] =	vst v63  }
0x127: {  	s30 =	sadd.s32 $0xA7B8, s25;
	s31 =	sadd.s32 $0x70, s26  }
0x128: {  	[hbm4b:s31+s3] =	stream.linear.scatter [tilespmem:s30], [sflag:$0x3], $0x80, $0x38;
	[tilespmem:$0xE800] =	vst v63  }
.Ltmp3:
0x129: {  	(pc) =	sbr.rel .LBB2_9-.Ltmp3, $4  }
0x12a: {  	_ = 	snop  }
0x12b: {  	_ =	swait.ge [sflag:s16], $0x2000  }
0x12c: {  	[sflag:s16] =	ssyncset.done $0x0  }
0x12d: {  	[sflag:s16] =	ssyncadd.s32 $0xFFFFE000  }
.LBB2_8:
0x12e: {  	s24 =	sshll.u32 s24, $0x7  }
0x12f: {  	s24 =	sadd.s32 $0x100, s24  }
.Ltmp4:
0x130: {  	s24 =	sand.u32 $0xFF00, s24;
	(pc) =	sbr.rel @p0 .LBB2_10-.Ltmp4, $4  }
0x131: {  	[tilespmem:s12], [sflag:$0x1] =	stream.indirect.gather [hbm4b:s4+s11], $0x40, s24, s11, $0xb8;
	[tilespmem:$0xE800] =	vst v63  }
0x132: {  	_ =	swait.ge [sflag:s16], $0x2000  }
0x133: {  	[sflag:s16] =	ssyncset.done $0x0  }
0x134: {  	[sflag:s16] =	ssyncadd.s32 $0xFFFFE000  }
.LBB2_9:
0x135: {  	_ =	swait.ge [sflag:s17], $0x2000  }
0x136: {  	[sflag:s17] =	ssyncset.done $0x0  }
0x137: {  	[sflag:s17] =	ssyncadd.s32 $0xFFFFE000  }
.LBB2_10:
0x138: {  	s24 =	simm.s32 $0x0  }
0x139: {  	v33 =	vmov s24  }
0x13a: {  	v33 =	vshrl.u32 v33, $0x3  }
0x13b: {  	v33 =	vshll.u32 v33, v1  }
0x13c: {  	v33 =	vbroadcast v33, $0x0  }
0x13d: {  	s24 =	simm.s32 $0x8500  }
0x13e: {  	v34 =	vld [tilespmem:s24+$0xFFFFFF00];
	v35 =	vadd.s32 v0, v33  }
0x13f: {  	v36 =	vld [tilespmem:s24+$0xFFFFFF10];
	v37 =	vadd.s32 v2, v33  }
0x140: {  	v38 =	vld [tilespmem:s24+$0xFFFFFF20];
	v39 =	vadd.s32 v3, v33  }
0x141: {  	s25 =	simm.s32 $0x1;
	v40 =	vld [tilespmem:s24+$0xFFFFFF30];
	v33 =	vadd.s32 v4, v33  }
0x142: {  	v41 =	vmov s25  }
0x143: {  	v47 =	vshrl.u32 v41, $0x3;
	[tilespmem:v35+s18+$0x0] =	vst.idx.msk $0xffff, v34  }
0x144: {  	v34 =	vshll.u32 v47, v1;
	[tilespmem:v37+s18+$0x0] =	vst.idx.msk $0xffff, v36  }
0x145: {  	v34 =	vbroadcast v34, $0x0;
	[tilespmem:v39+s18+$0x0] =	vst.idx.msk $0xffff, v38  }
0x146: {  	[tilespmem:v33+s18+$0x0] =	vst.idx.msk $0xffff, v40  }
0x147: {  	v48 =	vadd.s32 v5, v34;
	v33 =	vld [tilespmem:s24+$0xFFFFFF40]  }
0x148: {  	v49 =	vadd.s32 v6, v34;
	v36 =	vld [tilespmem:s24+$0xFFFFFF50]  }
0x149: {  	v50 =	vadd.s32 v7, v34;
	v38 =	vld [tilespmem:s24+$0xFFFFFF60]  }
0x14a: {  	s31 =	simm.s32 $0x2;
	v34 =	vadd.s32 v8, v34;
	v40 =	vld [tilespmem:s24+$0xFFFFFF70]  }
0x14b: {  	v51 =	vmov s31  }
0x14c: {  	v52 =	vshrl.u32 v51, $0x3;
	[tilespmem:v48+s18+$0x0] =	vst.idx.msk $0xffff, v33  }
0x14d: {  	v33 =	vshll.u32 v52, v1;
	[tilespmem:v49+s18+$0x0] =	vst.idx.msk $0xffff, v36  }
0x14e: {  	v33 =	vbroadcast v33, $0x0;
	[tilespmem:v50+s18+$0x0] =	vst.idx.msk $0xffff, v38  }
0x14f: {  	[tilespmem:v34+s18+$0x0] =	vst.idx.msk $0xffff, v40  }
0x150: {  	v53 =	vadd.s32 v9, v33;
	v34 =	vld [tilespmem:s24+$0xFFFFFF80]  }
0x151: {  	v54 =	vadd.s32 v10, v33;
	v36 =	vld [tilespmem:s24+$0xFFFFFF90]  }
0x152: {  	v55 =	vadd.s32 v11, v33;
	v38 =	vld [tilespmem:s24+$0xFFFFFFA0]  }
0x153: {  	s26 =	simm.s32 $0x3;
	v33 =	vadd.s32 v12, v33;
	v40 =	vld [tilespmem:s24+$0xFFFFFFB0]  }
0x154: {  	v56 =	vmov s26  }
0x155: {  	v57 =	vshrl.u32 v56, $0x3;
	[tilespmem:v53+s18+$0x0] =	vst.idx.msk $0xffff, v34  }
0x156: {  	v34 =	vshll.u32 v57, v1;
	[tilespmem:v54+s18+$0x0] =	vst.idx.msk $0xffff, v36  }
0x157: {  	v34 =	vbroadcast v34, $0x0;
	[tilespmem:v55+s18+$0x0] =	vst.idx.msk $0xffff, v38  }
0x158: {  	[tilespmem:v33+s18+$0x0] =	vst.idx.msk $0xffff, v40  }
0x159: {  	v58 =	vadd.s32 v13, v34;
	v33 =	vld [tilespmem:s24+$0xFFFFFFC0]  }
0x15a: {  	v59 =	vadd.s32 v14, v34;
	v36 =	vld [tilespmem:s24+$0xFFFFFFD0]  }
0x15b: {  	v60 =	vadd.s32 v15, v34;
	v38 =	vld [tilespmem:s24+$0xFFFFFFE0]  }
0x15c: {  	s28 =	simm.s32 $0x4;
	v34 =	vadd.s32 v16, v34;
	v40 =	vld [tilespmem:s24+$0xFFFFFFF0]  }
0x15d: {  	v61 =	vmov s28  }
0x15e: {  	v62 =	vshrl.u32 v61, $0x3;
	[tilespmem:v58+s18+$0x0] =	vst.idx.msk $0xffff, v33  }
0x15f: {  	v33 =	vshll.u32 v62, v1;
	[tilespmem:v59+s18+$0x0] =	vst.idx.msk $0xffff, v36  }
0x160: {  	v33 =	vbroadcast v33, $0x0;
	[tilespmem:v60+s18+$0x0] =	vst.idx.msk $0xffff, v38  }
0x161: {  	[tilespmem:v34+s18+$0x0] =	vst.idx.msk $0xffff, v40  }
0x162: {  	v63 =	vadd.s32 v17, v33;
	v34 =	vld [tilespmem:s24+$0x0]  }
0x163: {  	v44 =	vadd.s32 v18, v33;
	v36 =	vld [tilespmem:s24+$0x10]  }
0x164: {  	v45 =	vadd.s32 v19, v33;
	v38 =	vld [tilespmem:s24+$0x20]  }
0x165: {  	s29 =	simm.s32 $0x5;
	v33 =	vadd.s32 v20, v33;
	v40 =	vld [tilespmem:s24+$0x30]  }
0x166: {  	v46 =	vmov s29  }
0x167: {  	v47 =	vshrl.u32 v46, $0x3;
	[tilespmem:v63+s18+$0x0] =	vst.idx.msk $0xffff, v34  }
0x168: {  	v34 =	vshll.u32 v47, v1;
	[tilespmem:v44+s18+$0x0] =	vst.idx.msk $0xffff, v36  }
0x169: {  	v34 =	vbroadcast v34, $0x0;
	[tilespmem:v45+s18+$0x0] =	vst.idx.msk $0xffff, v38  }
0x16a: {  	[tilespmem:v33+s18+$0x0] =	vst.idx.msk $0xffff, v40  }
0x16b: {  	v48 =	vadd.s32 v21, v34;
	v33 =	vld [tilespmem:s24+$0x40]  }
0x16c: {  	v49 =	vadd.s32 v22, v34;
	v36 =	vld [tilespmem:s24+$0x50]  }
0x16d: {  	v50 =	vadd.s32 v23, v34;
	v38 =	vld [tilespmem:s24+$0x60]  }
0x16e: {  	s30 =	simm.s32 $0x6;
	v34 =	vadd.s32 v24, v34;
	v40 =	vld [tilespmem:s24+$0x70]  }
0x16f: {  	v51 =	vmov s30  }
0x170: {  	v52 =	vshrl.u32 v51, $0x3;
	[tilespmem:v48+s18+$0x0] =	vst.idx.msk $0xffff, v33  }
0x171: {  	v33 =	vshll.u32 v52, v1;
	[tilespmem:v49+s18+$0x0] =	vst.idx.msk $0xffff, v36  }
0x172: {  	v33 =	vbroadcast v33, $0x0;
	[tilespmem:v50+s18+$0x0] =	vst.idx.msk $0xffff, v38  }
0x173: {  	[tilespmem:v34+s18+$0x0] =	vst.idx.msk $0xffff, v40  }
0x174: {  	v53 =	vadd.s32 v25, v33;
	v34 =	vld [tilespmem:s24+$0x80]  }
0x175: {  	v54 =	vadd.s32 v26, v33;
	v36 =	vld [tilespmem:s24+$0x90]  }
0x176: {  	v55 =	vadd.s32 v27, v33;
	v38 =	vld [tilespmem:s24+$0xA0]  }
0x177: {  	s31 =	simm.s32 $0x7;
	v33 =	vadd.s32 v28, v33;
	v40 =	vld [tilespmem:s24+$0xB0]  }
0x178: {  	v56 =	vmov s31  }
0x179: {  	v57 =	vshrl.u32 v56, $0x3;
	[tilespmem:v53+s18+$0x0] =	vst.idx.msk $0xffff, v34  }
0x17a: {  	v34 =	vshll.u32 v57, v1;
	[tilespmem:v54+s18+$0x0] =	vst.idx.msk $0xffff, v36  }
0x17b: {  	v58 =	vbroadcast v34, $0x0;
	[tilespmem:v55+s18+$0x0] =	vst.idx.msk $0xffff, v38  }
0x17c: {  	[tilespmem:v33+s18+$0x0] =	vst.idx.msk $0xffff, v40  }
0x17d: {  	v59 =	vadd.s32 v29, v58;
	v33 =	vld [tilespmem:s24+$0xC0]  }
0x17e: {  	v60 =	vadd.s32 v30, v58;
	v37 =	vld [tilespmem:s24+$0xD0]  }
0x17f: {  	v61 =	vadd.s32 v31, v58;
	v39 =	vld [tilespmem:s24+$0xE0]  }
0x180: {  	s25 =	simm.s32 $0x8  }
0x181: {  	v62 =	vmov s25;
	v35 =	vadd.s32 v32, v58;
	v34 =	vld [tilespmem:s24+$0xF0]  }
0x182: {  	v41 =	vshrl.u32 v62, $0x3;
	[tilespmem:v59+s18+$0x0] =	vst.idx.msk $0xffff, v33  }
0x183: {  	v63 =	vshll.u32 v41, v1;
	[tilespmem:v60+s18+$0x0] =	vst.idx.msk $0xffff, v37  }
0x184: {  	s26 =	simm.s32 $0x10;
	v33 =	vbroadcast v63, $0x0;
	[tilespmem:v61+s18+$0x0] =	vst.idx.msk $0xffff, v39  }
.LBB2_11:
0x185: {  	p0 =	slt.u32 s26, $0x78  }
0x186: {  	[tilespmem:v35+s18+$0x0] =	vst.idx.msk $0xffff, v34;
	s24 =	sadd.s32 $0x200, s24;
	s28 =	smov.u32 s26;
	s26 =	sadd.s32 $0x8, s26  }
0x187: {  	v34 =	vld [tilespmem:s24+$0xFFFFFF00];
	v35 =	vadd.s32 v0, v33  }
0x188: {  	v37 =	vadd.s32 v2, v33;
	v36 =	vld [tilespmem:s24+$0xFFFFFF10]  }
0x189: {  	v39 =	vadd.s32 v3, v33;
	v38 =	vld [tilespmem:s24+$0xFFFFFF20]  }
0x18a: {  	s29 =	sadd.s32 $0x1, s25;
	v33 =	vadd.s32 v4, v33;
	v40 =	vld [tilespmem:s24+$0xFFFFFF30]  }
0x18b: {  	v41 =	vmov s29  }
0x18c: {  	[tilespmem:v35+s18+$0x0] =	vst.idx.msk $0xffff, v34;
	v34 =	vshrl.u32 v41, $0x3  }
0x18d: {  	[tilespmem:v37+s18+$0x0] =	vst.idx.msk $0xffff, v36;
	v34 =	vshll.u32 v34, v1  }
0x18e: {  	[tilespmem:v39+s18+$0x0] =	vst.idx.msk $0xffff, v38;
	v34 =	vbroadcast v34, $0x0  }
0x18f: {  	[tilespmem:v33+s18+$0x0] =	vst.idx.msk $0xffff, v40  }
0x190: {  	v33 =	vld [tilespmem:s24+$0xFFFFFF40];
	v35 =	vadd.s32 v5, v34  }
0x191: {  	v37 =	vadd.s32 v6, v34;
	v36 =	vld [tilespmem:s24+$0xFFFFFF50]  }
0x192: {  	v39 =	vadd.s32 v7, v34;
	v38 =	vld [tilespmem:s24+$0xFFFFFF60]  }
0x193: {  	s29 =	sadd.s32 $0x2, s25;
	v34 =	vadd.s32 v8, v34;
	v40 =	vld [tilespmem:s24+$0xFFFFFF70]  }
0x194: {  	v41 =	vmov s29  }
0x195: {  	[tilespmem:v35+s18+$0x0] =	vst.idx.msk $0xffff, v33;
	v33 =	vshrl.u32 v41, $0x3  }
0x196: {  	[tilespmem:v37+s18+$0x0] =	vst.idx.msk $0xffff, v36;
	v33 =	vshll.u32 v33, v1  }
0x197: {  	[tilespmem:v39+s18+$0x0] =	vst.idx.msk $0xffff, v38;
	v33 =	vbroadcast v33, $0x0  }
0x198: {  	[tilespmem:v34+s18+$0x0] =	vst.idx.msk $0xffff, v40  }
0x199: {  	v34 =	vld [tilespmem:s24+$0xFFFFFF80];
	v35 =	vadd.s32 v9, v33  }
0x19a: {  	v37 =	vadd.s32 v10, v33;
	v36 =	vld [tilespmem:s24+$0xFFFFFF90]  }
0x19b: {  	v39 =	vadd.s32 v11, v33;
	v38 =	vld [tilespmem:s24+$0xFFFFFFA0]  }
0x19c: {  	s29 =	sadd.s32 $0x3, s25;
	v33 =	vadd.s32 v12, v33;
	v40 =	vld [tilespmem:s24+$0xFFFFFFB0]  }
0x19d: {  	v41 =	vmov s29  }
0x19e: {  	[tilespmem:v35+s18+$0x0] =	vst.idx.msk $0xffff, v34;
	v34 =	vshrl.u32 v41, $0x3  }
0x19f: {  	[tilespmem:v37+s18+$0x0] =	vst.idx.msk $0xffff, v36;
	v34 =	vshll.u32 v34, v1  }
0x1a0: {  	[tilespmem:v39+s18+$0x0] =	vst.idx.msk $0xffff, v38;
	v34 =	vbroadcast v34, $0x0  }
0x1a1: {  	[tilespmem:v33+s18+$0x0] =	vst.idx.msk $0xffff, v40  }
0x1a2: {  	v33 =	vld [tilespmem:s24+$0xFFFFFFC0];
	v35 =	vadd.s32 v13, v34  }
0x1a3: {  	v37 =	vadd.s32 v14, v34;
	v36 =	vld [tilespmem:s24+$0xFFFFFFD0]  }
0x1a4: {  	v39 =	vadd.s32 v15, v34;
	v38 =	vld [tilespmem:s24+$0xFFFFFFE0]  }
0x1a5: {  	s29 =	sadd.s32 $0x4, s25;
	v34 =	vadd.s32 v16, v34;
	v40 =	vld [tilespmem:s24+$0xFFFFFFF0]  }
0x1a6: {  	v41 =	vmov s29  }
0x1a7: {  	[tilespmem:v35+s18+$0x0] =	vst.idx.msk $0xffff, v33;
	v33 =	vshrl.u32 v41, $0x3  }
0x1a8: {  	[tilespmem:v37+s18+$0x0] =	vst.idx.msk $0xffff, v36;
	v33 =	vshll.u32 v33, v1  }
0x1a9: {  	[tilespmem:v39+s18+$0x0] =	vst.idx.msk $0xffff, v38;
	v33 =	vbroadcast v33, $0x0  }
0x1aa: {  	[tilespmem:v34+s18+$0x0] =	vst.idx.msk $0xffff, v40  }
0x1ab: {  	v34 =	vld [tilespmem:s24+$0x0];
	v35 =	vadd.s32 v17, v33  }
0x1ac: {  	v37 =	vadd.s32 v18, v33;
	v36 =	vld [tilespmem:s24+$0x10]  }
0x1ad: {  	v39 =	vadd.s32 v19, v33;
	v38 =	vld [tilespmem:s24+$0x20]  }
0x1ae: {  	s29 =	sadd.s32 $0x5, s25;
	v33 =	vadd.s32 v20, v33;
	v40 =	vld [tilespmem:s24+$0x30]  }
0x1af: {  	v41 =	vmov s29  }
0x1b0: {  	[tilespmem:v35+s18+$0x0] =	vst.idx.msk $0xffff, v34;
	v34 =	vshrl.u32 v41, $0x3  }
0x1b1: {  	[tilespmem:v37+s18+$0x0] =	vst.idx.msk $0xffff, v36;
	v34 =	vshll.u32 v34, v1  }
0x1b2: {  	[tilespmem:v39+s18+$0x0] =	vst.idx.msk $0xffff, v38;
	v34 =	vbroadcast v34, $0x0  }
0x1b3: {  	[tilespmem:v33+s18+$0x0] =	vst.idx.msk $0xffff, v40  }
0x1b4: {  	v33 =	vld [tilespmem:s24+$0x40];
	v35 =	vadd.s32 v21, v34  }
0x1b5: {  	v37 =	vadd.s32 v22, v34;
	v36 =	vld [tilespmem:s24+$0x50]  }
0x1b6: {  	v39 =	vadd.s32 v23, v34;
	v38 =	vld [tilespmem:s24+$0x60]  }
0x1b7: {  	s29 =	sadd.s32 $0x6, s25;
	v34 =	vadd.s32 v24, v34;
	v40 =	vld [tilespmem:s24+$0x70]  }
0x1b8: {  	v41 =	vmov s29  }
0x1b9: {  	[tilespmem:v35+s18+$0x0] =	vst.idx.msk $0xffff, v33;
	v33 =	vshrl.u32 v41, $0x3  }
0x1ba: {  	[tilespmem:v37+s18+$0x0] =	vst.idx.msk $0xffff, v36;
	v33 =	vshll.u32 v33, v1  }
0x1bb: {  	[tilespmem:v39+s18+$0x0] =	vst.idx.msk $0xffff, v38;
	v33 =	vbroadcast v33, $0x0  }
0x1bc: {  	[tilespmem:v34+s18+$0x0] =	vst.idx.msk $0xffff, v40  }
0x1bd: {  	v34 =	vld [tilespmem:s24+$0x80];
	v35 =	vadd.s32 v25, v33  }
0x1be: {  	v37 =	vadd.s32 v26, v33;
	v36 =	vld [tilespmem:s24+$0x90]  }
0x1bf: {  	v39 =	vadd.s32 v27, v33;
	v38 =	vld [tilespmem:s24+$0xA0]  }
0x1c0: {  	s29 =	sadd.s32 $0x7, s25;
	s25 =	smov.u32 s28;
	v33 =	vadd.s32 v28, v33;
	v40 =	vld [tilespmem:s24+$0xB0]  }
0x1c1: {  	v41 =	vmov s29  }
0x1c2: {  	[tilespmem:v35+s18+$0x0] =	vst.idx.msk $0xffff, v34;
	v34 =	vshrl.u32 v41, $0x3  }
0x1c3: {  	[tilespmem:v37+s18+$0x0] =	vst.idx.msk $0xffff, v36;
	v34 =	vshll.u32 v34, v1  }
0x1c4: {  	[tilespmem:v39+s18+$0x0] =	vst.idx.msk $0xffff, v38;
	v35 =	vbroadcast v34, $0x0  }
0x1c5: {  	[tilespmem:v33+s18+$0x0] =	vst.idx.msk $0xffff, v40  }
0x1c6: {  	v33 =	vld [tilespmem:s24+$0xC0];
	v36 =	vadd.s32 v29, v35  }
0x1c7: {  	v38 =	vadd.s32 v30, v35;
	v37 =	vld [tilespmem:s24+$0xD0]  }
0x1c8: {  	v40 =	vadd.s32 v31, v35;
	v39 =	vld [tilespmem:s24+$0xE0]  }
.Ltmp5:
0x1c9: {  	v35 =	vadd.s32 v32, v35;
	v34 =	vld [tilespmem:s24+$0xF0];
	(pc) =	sbr.rel @p0 .LBB2_11-.Ltmp5, $4  }
0x1ca: {  	v41 =	vmov s25  }
0x1cb: {  	v41 =	vshrl.u32 v41, $0x3;
	[tilespmem:v36+s18+$0x0] =	vst.idx.msk $0xffff, v33  }
0x1cc: {  	v33 =	vshll.u32 v41, v1;
	[tilespmem:v38+s18+$0x0] =	vst.idx.msk $0xffff, v37  }
0x1cd: {  	v33 =	vbroadcast v33, $0x0;
	[tilespmem:v40+s18+$0x0] =	vst.idx.msk $0xffff, v39  }
0x1ce: {  	_ =	sdelay $0x3  }
0x1cf: {  	[tilespmem:v35+s18+$0x0] =	vst.idx.msk $0xffff, v34;
	s24 =	sadd.s32 $0x200, s24  }
0x1d0: {  	v34 =	vld [tilespmem:s24+$0xFFFFFF00];
	v48 =	vadd.s32 v0, v33  }
0x1d1: {  	v36 =	vld [tilespmem:s24+$0xFFFFFF10];
	v37 =	vadd.s32 v2, v33  }
0x1d2: {  	v38 =	vld [tilespmem:s24+$0xFFFFFF20];
	v39 =	vadd.s32 v3, v33  }
0x1d3: {  	s26 =	sadd.s32 $0x1, s25;
	v40 =	vld [tilespmem:s24+$0xFFFFFF30];
	v49 =	vadd.s32 v4, v33  }
0x1d4: {  	v41 =	vmov s26  }
0x1d5: {  	v50 =	vshrl.u32 v41, $0x3;
	[tilespmem:v48+s18+$0x0] =	vst.idx.msk $0xffff, v34  }
0x1d6: {  	v34 =	vshll.u32 v50, v1;
	[tilespmem:v37+s18+$0x0] =	vst.idx.msk $0xffff, v36  }
0x1d7: {  	v34 =	vbroadcast v34, $0x0;
	[tilespmem:v39+s18+$0x0] =	vst.idx.msk $0xffff, v38  }
0x1d8: {  	[tilespmem:v49+s18+$0x0] =	vst.idx.msk $0xffff, v40  }
0x1d9: {  	v51 =	vadd.s32 v5, v34;
	v33 =	vld [tilespmem:s24+$0xFFFFFF40]  }
0x1da: {  	v52 =	vadd.s32 v6, v34;
	v36 =	vld [tilespmem:s24+$0xFFFFFF50]  }
0x1db: {  	v53 =	vadd.s32 v7, v34;
	v38 =	vld [tilespmem:s24+$0xFFFFFF60]  }
0x1dc: {  	s30 =	sadd.s32 $0x2, s25;
	v34 =	vadd.s32 v8, v34;
	v40 =	vld [tilespmem:s24+$0xFFFFFF70]  }
0x1dd: {  	v54 =	vmov s30  }
0x1de: {  	v55 =	vshrl.u32 v54, $0x3;
	[tilespmem:v51+s18+$0x0] =	vst.idx.msk $0xffff, v33  }
0x1df: {  	v33 =	vshll.u32 v55, v1;
	[tilespmem:v52+s18+$0x0] =	vst.idx.msk $0xffff, v36  }
0x1e0: {  	v33 =	vbroadcast v33, $0x0;
	[tilespmem:v53+s18+$0x0] =	vst.idx.msk $0xffff, v38  }
0x1e1: {  	[tilespmem:v34+s18+$0x0] =	vst.idx.msk $0xffff, v40  }
0x1e2: {  	v56 =	vadd.s32 v9, v33;
	v34 =	vld [tilespmem:s24+$0xFFFFFF80]  }
0x1e3: {  	v57 =	vadd.s32 v10, v33;
	v36 =	vld [tilespmem:s24+$0xFFFFFF90]  }
0x1e4: {  	v58 =	vadd.s32 v11, v33;
	v38 =	vld [tilespmem:s24+$0xFFFFFFA0]  }
0x1e5: {  	s31 =	sadd.s32 $0x3, s25;
	v33 =	vadd.s32 v12, v33;
	v40 =	vld [tilespmem:s24+$0xFFFFFFB0]  }
0x1e6: {  	v59 =	vmov s31  }
0x1e7: {  	v60 =	vshrl.u32 v59, $0x3;
	[tilespmem:v56+s18+$0x0] =	vst.idx.msk $0xffff, v34  }
0x1e8: {  	v34 =	vshll.u32 v60, v1;
	[tilespmem:v57+s18+$0x0] =	vst.idx.msk $0xffff, v36  }
0x1e9: {  	v34 =	vbroadcast v34, $0x0;
	[tilespmem:v58+s18+$0x0] =	vst.idx.msk $0xffff, v38  }
0x1ea: {  	[tilespmem:v33+s18+$0x0] =	vst.idx.msk $0xffff, v40  }
0x1eb: {  	v61 =	vadd.s32 v13, v34;
	v33 =	vld [tilespmem:s24+$0xFFFFFFC0]  }
0x1ec: {  	v62 =	vadd.s32 v14, v34;
	v36 =	vld [tilespmem:s24+$0xFFFFFFD0]  }
0x1ed: {  	v63 =	vadd.s32 v15, v34;
	v38 =	vld [tilespmem:s24+$0xFFFFFFE0]  }
0x1ee: {  	s28 =	sadd.s32 $0x4, s25;
	v34 =	vadd.s32 v16, v34;
	v40 =	vld [tilespmem:s24+$0xFFFFFFF0]  }
0x1ef: {  	v44 =	vmov s28  }
0x1f0: {  	v45 =	vshrl.u32 v44, $0x3;
	[tilespmem:v61+s18+$0x0] =	vst.idx.msk $0xffff, v33  }
0x1f1: {  	v33 =	vshll.u32 v45, v1;
	[tilespmem:v62+s18+$0x0] =	vst.idx.msk $0xffff, v36  }
0x1f2: {  	v33 =	vbroadcast v33, $0x0;
	[tilespmem:v63+s18+$0x0] =	vst.idx.msk $0xffff, v38  }
0x1f3: {  	[tilespmem:v34+s18+$0x0] =	vst.idx.msk $0xffff, v40  }
0x1f4: {  	v46 =	vadd.s32 v17, v33;
	v34 =	vld [tilespmem:s24+$0x0]  }
0x1f5: {  	v47 =	vadd.s32 v18, v33;
	v36 =	vld [tilespmem:s24+$0x10]  }
0x1f6: {  	v48 =	vadd.s32 v19, v33;
	v38 =	vld [tilespmem:s24+$0x20]  }
0x1f7: {  	s29 =	sadd.s32 $0x5, s25;
	v33 =	vadd.s32 v20, v33;
	v40 =	vld [tilespmem:s24+$0x30]  }
0x1f8: {  	v49 =	vmov s29  }
0x1f9: {  	v50 =	vshrl.u32 v49, $0x3;
	[tilespmem:v46+s18+$0x0] =	vst.idx.msk $0xffff, v34  }
0x1fa: {  	v34 =	vshll.u32 v50, v1;
	[tilespmem:v47+s18+$0x0] =	vst.idx.msk $0xffff, v36  }
0x1fb: {  	v34 =	vbroadcast v34, $0x0;
	[tilespmem:v48+s18+$0x0] =	vst.idx.msk $0xffff, v38  }
0x1fc: {  	[tilespmem:v33+s18+$0x0] =	vst.idx.msk $0xffff, v40  }
0x1fd: {  	v51 =	vadd.s32 v21, v34;
	v33 =	vld [tilespmem:s24+$0x40]  }
0x1fe: {  	v52 =	vadd.s32 v22, v34;
	v36 =	vld [tilespmem:s24+$0x50]  }
0x1ff: {  	v53 =	vadd.s32 v23, v34;
	v38 =	vld [tilespmem:s24+$0x60]  }
0x200: {  	s30 =	sadd.s32 $0x6, s25;
	v34 =	vadd.s32 v24, v34;
	v40 =	vld [tilespmem:s24+$0x70]  }
0x201: {  	v54 =	vmov s30  }
0x202: {  	v55 =	vshrl.u32 v54, $0x3;
	[tilespmem:v51+s18+$0x0] =	vst.idx.msk $0xffff, v33  }
0x203: {  	v33 =	vshll.u32 v55, v1;
	[tilespmem:v52+s18+$0x0] =	vst.idx.msk $0xffff, v36  }
0x204: {  	v33 =	vbroadcast v33, $0x0;
	[tilespmem:v53+s18+$0x0] =	vst.idx.msk $0xffff, v38  }
0x205: {  	[tilespmem:v34+s18+$0x0] =	vst.idx.msk $0xffff, v40  }
0x206: {  	v56 =	vadd.s32 v25, v33;
	v34 =	vld [tilespmem:s24+$0x80]  }
0x207: {  	v57 =	vadd.s32 v26, v33;
	v36 =	vld [tilespmem:s24+$0x90]  }
0x208: {  	v58 =	vadd.s32 v27, v33;
	v38 =	vld [tilespmem:s24+$0xA0]  }
0x209: {  	s31 =	sadd.s32 $0x7, s25;
	v33 =	vadd.s32 v28, v33;
	v40 =	vld [tilespmem:s24+$0xB0]  }
0x20a: {  	v59 =	vmov s31  }
0x20b: {  	v60 =	vshrl.u32 v59, $0x3;
	[tilespmem:v56+s18+$0x0] =	vst.idx.msk $0xffff, v34  }
0x20c: {  	v34 =	vshll.u32 v60, v1;
	[tilespmem:v57+s18+$0x0] =	vst.idx.msk $0xffff, v36  }
0x20d: {  	v34 =	vbroadcast v34, $0x0;
	[tilespmem:v58+s18+$0x0] =	vst.idx.msk $0xffff, v38  }
0x20e: {  	[tilespmem:v33+s18+$0x0] =	vst.idx.msk $0xffff, v40  }
0x20f: {  	v61 =	vadd.s32 v29, v34;
	v33 =	vld [tilespmem:s24+$0xC0]  }
0x210: {  	v62 =	vadd.s32 v30, v34;
	v36 =	vld [tilespmem:s24+$0xD0]  }
0x211: {  	v63 =	vadd.s32 v31, v34;
	v38 =	vld [tilespmem:s24+$0xE0]  }
0x212: {  	v34 =	vadd.s32 v32, v34;
	v40 =	vld [tilespmem:s24+$0xF0];
	_ =	sdelay $0x1  }
0x213: {  	s22 =	sand.u32 $0x3, s22;
	[tilespmem:v61+s18+$0x0] =	vst.idx.msk $0xffff, v33  }
0x214: {  	s22 =	sor.u32 s5, s22;
	[tilespmem:v62+s18+$0x0] =	vst.idx.msk $0xffff, v36  }
0x215: {  	s22 =	sshll.u32 s22, $0x7;
	[tilespmem:v63+s18+$0x0] =	vst.idx.msk $0xffff, v38  }
0x216: {  	s23 =	sadd.s32 s22, s23;
	s24 =	simm.s32 $0xC600;
	[tilespmem:v34+s18+$0x0] =	vst.idx.msk $0xffff, v40  }
0x217: {  	[hbm4b:s23+s3] =	stream.linear.scatter [tilespmem:s24], [sflag:$0x4], $0x80, $0x38;
	[tilespmem:$0xE800] =	vst v63  }
0x218: {  	s25 =	simm.s32 $0xC688;
	s26 =	sadd.s32 $0x10, s23  }
0x219: {  	[hbm4b:s26+s3] =	stream.linear.scatter [tilespmem:s25], [sflag:$0x4], $0x80, $0x38;
	[tilespmem:$0xE800] =	vst v63  }
0x21a: {  	s28 =	simm.s32 $0xC710;
	s30 =	simm.s32 $0xC798;
	s29 =	sadd.s32 $0x20, s23  }
0x21b: {  	[hbm4b:s29+s3] =	stream.linear.scatter [tilespmem:s28], [sflag:$0x4], $0x80, $0x38;
	[tilespmem:$0xE800] =	vst v63  }
0x21c: {  	s22 =	simm.s32 $0x440;
	s31 =	sadd.s32 $0x30, s23;
	s24 =	simm.s32 $0x2200  }
0x21d: {  	[hbm4b:s31+s3] =	stream.linear.scatter [tilespmem:s30], [sflag:$0x4], $0x80, $0x38;
	[tilespmem:$0xE800] =	vst v63  }
0x21e: {  	s25 =	simm.s32 $0xC820;
	s26 =	sadd.s32 $0x40, s23;
	s28 =	simm.s32 $0xC8A8  }
0x21f: {  	[hbm4b:s26+s3] =	stream.linear.scatter [tilespmem:s25], [sflag:$0x4], $0x80, $0x38;
	[tilespmem:$0xE800] =	vst v63  }
0x220: {  	s29 =	sadd.s32 $0x50, s23;
	s30 =	simm.s32 $0xC930;
	s31 =	sadd.s32 $0x60, s23  }
0x221: {  	[hbm4b:s29+s3] =	stream.linear.scatter [tilespmem:s28], [sflag:$0x4], $0x80, $0x38;
	[tilespmem:$0xE800] =	vst v63  }
0x222: {  	s25 =	simm.s32 $0xC9B8;
	s26 =	sadd.s32 $0x70, s23;
	s23 =	sadd.s32 $0x4000, s23  }
0x223: {  	[hbm4b:s31+s3] =	stream.linear.scatter [tilespmem:s30], [sflag:$0x4], $0x80, $0x38;
	[tilespmem:$0xE800] =	vst v63  }
.LBB2_13:
0x224: {  	[hbm4b:s26+s3] =	stream.linear.scatter [tilespmem:s25], [sflag:$0x4], $0x80, $0x38;
	[tilespmem:$0xE800] =	vst v63  }
0x225: {  	s25 =	smov.u32 s22;
	s22 =	smov.u32 s24  }
0x226: {  	s28 =	sadd.s32 $0x1100, s24;
	s22 =	sshra.s32 s22, $0x2;
	s26 =	sadd.s32 $0xC600, s25  }
0x227: {  	[hbm4b:s23+s3] =	stream.linear.scatter [tilespmem:s26], [sflag:$0x4], $0x80, $0x38;
	[tilespmem:$0xE800] =	vst v63  }
0x228: {  	p0 =	sne.s32 s24, $0x7700;
	s24 =	sadd.s32 $0xC688, s25;
	s26 =	sadd.s32 $0x10, s23  }
0x229: {  	[hbm4b:s26+s3] =	stream.linear.scatter [tilespmem:s24], [sflag:$0x4], $0x80, $0x38;
	[tilespmem:$0xE800] =	vst v63  }
0x22a: {  	s24 =	sadd.s32 $0xC710, s25;
	s26 =	sadd.s32 $0x20, s23  }
0x22b: {  	[hbm4b:s26+s3] =	stream.linear.scatter [tilespmem:s24], [sflag:$0x4], $0x80, $0x38;
	[tilespmem:$0xE800] =	vst v63  }
0x22c: {  	s24 =	sadd.s32 $0xC798, s25;
	s26 =	sadd.s32 $0x30, s23  }
0x22d: {  	[hbm4b:s26+s3] =	stream.linear.scatter [tilespmem:s24], [sflag:$0x4], $0x80, $0x38;
	[tilespmem:$0xE800] =	vst v63  }
0x22e: {  	s24 =	sadd.s32 $0xC820, s25;
	s26 =	sadd.s32 $0x40, s23  }
0x22f: {  	[hbm4b:s26+s3] =	stream.linear.scatter [tilespmem:s24], [sflag:$0x4], $0x80, $0x38;
	[tilespmem:$0xE800] =	vst v63  }
.Ltmp6:
0x230: {  	s24 =	sadd.s32 $0xC8A8, s25;
	s26 =	sadd.s32 $0x50, s23;
	(pc) =	sbr.rel @p0 .LBB2_13-.Ltmp6, $4  }
0x231: {  	[hbm4b:s26+s3] =	stream.linear.scatter [tilespmem:s24], [sflag:$0x4], $0x80, $0x38;
	[tilespmem:$0xE800] =	vst v63  }
0x232: {  	s24 =	sadd.s32 $0xC930, s25;
	s26 =	sadd.s32 $0x60, s23;
	s25 =	sadd.s32 $0xC9B8, s25  }
0x233: {  	[hbm4b:s26+s3] =	stream.linear.scatter [tilespmem:s24], [sflag:$0x4], $0x80, $0x38;
	[tilespmem:$0xE800] =	vst v63  }
0x234: {  	s26 =	sadd.s32 $0x70, s23;
	s23 =	sadd.s32 $0x4000, s23;
	s24 =	smov.u32 s28  }
0x235: {  	[hbm4b:s26+s3] =	stream.linear.scatter [tilespmem:s25], [sflag:$0x4], $0x80, $0x38;
	[tilespmem:$0xE800] =	vst v63  }
0x236: {  	s24 =	sadd.s32 $0xC600, s22  }
0x237: {  	[hbm4b:s23+s3] =	stream.linear.scatter [tilespmem:s24], [sflag:$0x4], $0x80, $0x38;
	[tilespmem:$0xE800] =	vst v63  }
0x238: {  	s30 =	sadd.s32 $0xC688, s22;
	s31 =	sadd.s32 $0x10, s23  }
0x239: {  	[hbm4b:s31+s3] =	stream.linear.scatter [tilespmem:s30], [sflag:$0x4], $0x80, $0x38;
	[tilespmem:$0xE800] =	vst v63  }
0x23a: {  	s25 =	sadd.s32 $0xC710, s22;
	s26 =	sadd.s32 $0x20, s23  }
0x23b: {  	[hbm4b:s26+s3] =	stream.linear.scatter [tilespmem:s25], [sflag:$0x4], $0x80, $0x38;
	[tilespmem:$0xE800] =	vst v63  }
0x23c: {  	s28 =	sadd.s32 $0xC798, s22;
	s29 =	sadd.s32 $0x30, s23  }
0x23d: {  	[hbm4b:s29+s3] =	stream.linear.scatter [tilespmem:s28], [sflag:$0x4], $0x80, $0x38;
	[tilespmem:$0xE800] =	vst v63  }
0x23e: {  	s21 =	sadd.s32 $0x1, s21;
	s30 =	sadd.s32 $0xC820, s22;
	s31 =	sadd.s32 $0x40, s23  }
0x23f: {  	[hbm4b:s31+s3] =	stream.linear.scatter [tilespmem:s30], [sflag:$0x4], $0x80, $0x38;
	[tilespmem:$0xE800] =	vst v63  }
0x240: {  	p0 =	sne.s32 s21, $0x64;
	s25 =	sadd.s32 $0xC8A8, s22;
	s26 =	sadd.s32 $0x50, s23  }
0x241: {  	[hbm4b:s26+s3] =	stream.linear.scatter [tilespmem:s25], [sflag:$0x4], $0x80, $0x38;
	[tilespmem:$0xE800] =	vst v63  }
.Ltmp7:
0x242: {  	_ = 	snop;
	(pc) =	sbr.rel @p0 .LBB2_2-.Ltmp7, $4  }
0x243: {  	s28 =	sadd.s32 $0xC930, s22;
	s29 =	sadd.s32 $0x60, s23  }
0x244: {  	[hbm4b:s29+s3] =	stream.linear.scatter [tilespmem:s28], [sflag:$0x4], $0x80, $0x38;
	[tilespmem:$0xE800] =	vst v63  }
0x245: {  	s30 =	sadd.s32 $0xC9B8, s22;
	s31 =	sadd.s32 $0x70, s23  }
0x246: {  	[hbm4b:s31+s3] =	stream.linear.scatter [tilespmem:s30], [sflag:$0x4], $0x80, $0x38;
	[tilespmem:$0xE800] =	vst v63  }
0x247: {  	s20 =	sadd.s32 $0x1, s20  }
0x248: {  	_ =	swait.ge [sflag:s19], $0x2000;
	p0 =	sne.s32 s20, s7  }
.Ltmp8:
0x249: {  	[sflag:s19] =	ssyncset.done $0x0;
	(pc) =	sbr.rel @p0 .LBB2_1-.Ltmp8, $4  }
0x24a: {  	[sflag:s19] =	ssyncadd.s32 $0xFFFFE000  }
0x24b: {  	_ =	swait.ge [sflag:s17], $0x2000  }
0x24c: {  	[sflag:s17] =	ssyncset.done $0x0  }
0x24d: {  	[sflag:s17] =	ssyncadd.s32 $0xFFFFE000  }
0x24e: {  	_ =	sfence.sel $0x180000  }
0x24f: {  	[bflag:$0x0] =	sbarrier.arrive $0xFFFF  }
0x250: {  	p0 =	sne.s32 s0, $0x0;
	_ =	strace $0x90000047  }
0x251: {  	s0 =	sadd.s32 @!p0 $0x100000, s1;
	[bflag:$0x2] =	sbarrier.arrive $0xFFFF  }
0x252: {  	[sflag:s0] =	ssyncadd.tile.s32 @!p0 $0x1;
	_ =	shalt  }
.Lfunc_end2:
_tile_overlayer_lowered:
.L_overlay_start_2:
0x253: {  	(tag) =	ssettag $0x2  }
0x254: {  	s0 =	rddreg [dreg:$0x0];
	s2 =	stileid.u32  }
0x255: {  	s1 =	rddreg [dreg:$0x1];
	p0 =	sne.s32 s2, $0x0  }
0x256: {  	s3 =	rddreg [dreg:$0x2];
	[bflag:$0x3] =	sbarrier.arrive $0xFFFF;
	s2 =	simm.s32 @!p0 $0x1C05  }
0x257: {  	[timem:s3], [sflag:s2] =	dma.local @!p0 [hbm:s0], s1  }
0x258: {  	s0 =	simm.s32 @!p0 $0x5  }
0x259: {  	_ =	swait.ge @!p0 [sflag:s0], s1  }
0x25a: {  	s1 =	ssub.s32 @!p0 $0x0, s1;
	[sflag:s0] =	ssyncset.done @!p0 $0x0  }
0x25b: {  	[sflag:s0] =	ssyncadd.s32 @!p0 s1  }
0x25c: {  	[bflag:$0x3] =	sbarrier.arrive $0xFFFF  }
0x25d: {  	_ =	shalt  }

</sc_bundles>
